<compile_context>
chip_gen: v7x
topology: tpu7x:2x2x1
jax: 0.10.2.dev20260603
libtpu: 0.0.44.dev20260713+nightly
codegen_flags: <defaults>
</compile_context>

<pallas_src>
import functools

import jax
import jax.numpy as jnp
from jax import lax
from jax.experimental import pallas as pl
from jax.experimental.pallas import tpu as pltpu
from jax.experimental.pallas import tpu_sc as plsc

NUM_CORES = 2
NUM_SUBCORES = 16
NUM_WORKERS = NUM_CORES * NUM_SUBCORES
LANES = 16
NBUF = 2


def _make_kernel(n_rows, n_pos, d, chunk):
    assert n_rows % (NUM_WORKERS * chunk) == 0
    rows_per_worker = n_rows // NUM_WORKERS
    n_chunks = rows_per_worker // chunk
    assert n_chunks >= NBUF
    d_vregs = d // LANES

    mesh = plsc.VectorSubcoreMesh(
        core_axis_name="c", subcore_axis_name="s")

    scratch = [
        pltpu.VMEM((rows_per_worker,), jnp.int32),
        pltpu.VMEM((rows_per_worker,), jnp.int32),
    ]
    for _ in range(NBUF):
        scratch.append(pltpu.VMEM((chunk, d), jnp.float32))
        scratch.append(pltpu.VMEM((chunk, d), jnp.float32))
        scratch.append(pltpu.SemaphoreType.DMA)
        scratch.append(pltpu.SemaphoreType.DMA)

    @functools.partial(
        pl.kernel,
        mesh=mesh,
        out_type=jax.ShapeDtypeStruct((n_rows, d), jnp.float32),
        scratch_types=scratch,
    )
    def kern(tok_ids_hbm, pos_ids_hbm, tok_tab_hbm, pos_tab_hbm, out_hbm,
             tid_all, pid_all, *bufs):
        rings = [tuple(bufs[4 * k:4 * k + 4]) for k in range(NBUF)]
        wid = lax.axis_index("s") * NUM_CORES + lax.axis_index("c")
        base = wid * rows_per_worker

        pltpu.sync_copy(tok_ids_hbm.at[pl.ds(base, rows_per_worker)], tid_all)
        pltpu.sync_copy(pos_ids_hbm.at[pl.ds(base, rows_per_worker)], pid_all)

        off = jnp.full((LANES,), wid * n_pos, dtype=jnp.int32)

        def off_body(i, carry):
            sl = pl.ds(i * LANES, LANES)
            pid_all[sl] = pid_all[sl] + off
            return carry

        lax.fori_loop(0, rows_per_worker // LANES, off_body, 0)

        def gathers(j, ring):
            tbuf, pbuf, g, _ = ring
            sl = pl.ds(j * chunk, chunk)
            pltpu.async_copy(tok_tab_hbm.at[tid_all.at[sl]], tbuf, g)
            pltpu.async_copy(pos_tab_hbm.at[pid_all.at[sl]], pbuf, g)

        def wait_gathers(ring):
            tbuf, pbuf, g, _ = ring
            pltpu.make_async_copy(
                tok_tab_hbm.at[pl.ds(0, chunk)], tbuf, g).wait()
            pltpu.make_async_copy(
                pos_tab_hbm.at[pl.ds(0, chunk)], pbuf, g).wait()

        def wait_writeback(ring):
            tbuf, _, _, o = ring
            pltpu.make_async_copy(
                tbuf, out_hbm.at[pl.ds(0, chunk)], o).wait()

        for k in range(NBUF - 1):
            gathers(k, rings[k])

        def process(j, k):
            ring = rings[k]
            nxt = rings[(k + NBUF - 1) % NBUF]
            @pl.when(j + NBUF - 1 < n_chunks)
            def _():
                @pl.when(j >= 1)
                def _():
                    wait_writeback(nxt)
                gathers(j + NBUF - 1, nxt)

            wait_gathers(ring)
            tbuf, pbuf, _, o = ring

            def row_body(r, carry):
                for c in range(d_vregs):
                    sl = pl.ds(c * LANES, LANES)
                    plsc.addupdate(tbuf.at[r, sl], pbuf[r, sl])
                return carry

            lax.fori_loop(0, chunk, row_body, 0)
            pltpu.async_copy(
                tbuf, out_hbm.at[pl.ds(base + j * chunk, chunk)], o)

        def chunk_body(j, carry):
            for k in range(NBUF):
                @pl.when(j % NBUF == k)
                def _(k=k):
                    process(j, k)

            return carry

        lax.fori_loop(0, n_chunks, chunk_body, 0)
        for k in range(NBUF):
            wait_writeback(rings[k])

    return kern


def kernel(input_ids, position_ids, token_table, position_table):
    b, w = input_ids.shape
    n_pos, d = position_table.shape
    n_rows = b * w
    flat_tok = input_ids.T.reshape(n_rows).astype(jnp.int32)
    flat_pos = position_ids.T.reshape(n_rows).astype(jnp.int32)
    pos_rep = jnp.tile(position_table, (NUM_WORKERS, 1))
    kern = _make_kernel(n_rows, n_pos, d, chunk=32)
    out = kern(flat_tok, flat_pos, token_table, pos_rep)
    return out.reshape(w, b, d).transpose(1, 0, 2)

# --- scband reference (transcript-rebuilt; emitter-appended) ---
"""Pipeline reference for scband-cliptext-embeddings-70738111365681 (READ-ONLY COPY).

The authoritative reference and input builder live on the scoring server;
editing this copy changes nothing except your own understanding.
"""

import jax, jax.numpy as jnp
import numpy as np

VOCAB = 49408
N_WORDS = 77
D = 768
BATCH = 1024

def setup_inputs(seed: int = 0) -> dict:
    key = jax.random.key(seed)
    k1, k2, k3, k4 = jax.random.split(key, 4)
    input_ids = jax.random.randint(k1, (BATCH, N_WORDS), 0, VOCAB, dtype=jnp.int64 if jax.config.jax_enable_x64 else jnp.int32)
    position_ids = jax.random.randint(k2, (BATCH, N_WORDS), 0, N_WORDS, dtype=jnp.int64 if jax.config.jax_enable_x64 else jnp.int32)
    token_table = jax.random.normal(k3, (VOCAB, D), dtype=jnp.float32) * 0.02
    position_table = jax.random.normal(k4, (N_WORDS, D), dtype=jnp.float32) * 0.02
    return {"input_ids": input_ids, "position_ids": position_ids, "token_table": token_table, "position_table": position_table}

def reference(input_ids, position_ids, token_table, position_table):
    word_embeddings = jnp.take(token_table, input_ids, axis=0)
    position_embeddings = jnp.take(position_table, position_ids, axis=0)
    return word_embeddings + position_embeddings

if __name__ == "__main__":
    import jax
    _d = setup_inputs()
    print(jax.jit(kernel)(*tuple(_d.values())))

</pallas_src>

<mosaic_0001>
#map = affine_map<(d0, d1) -> (0)>
#map1 = affine_map<(d0, d1) -> (0, 0)>
module attributes {stable_mosaic.version = 14 : i64} {
  func.func @kern(%arg0: i32, %arg1: i32, %arg2: memref<78848xi32, #tpu.memory_space<hbm>>, %arg3: memref<78848xi32, #tpu.memory_space<hbm>>, %arg4: memref<49408x768xf32, #tpu.memory_space<hbm>>, %arg5: memref<2464x768xf32, #tpu.memory_space<hbm>>, %arg6: memref<78848x768xf32, #tpu.memory_space<hbm>>, %arg7: memref<2464xi32, #tpu.memory_space<vmem>>, %arg8: memref<2464xi32, #tpu.memory_space<vmem>>, %arg9: memref<32x768xf32, #tpu.memory_space<vmem>>, %arg10: memref<32x768xf32, #tpu.memory_space<vmem>>, %arg11: memref<!tpu.dma_semaphore, #tpu.memory_space<semaphore_mem>>, %arg12: memref<!tpu.dma_semaphore, #tpu.memory_space<semaphore_mem>>, %arg13: memref<32x768xf32, #tpu.memory_space<vmem>>, %arg14: memref<32x768xf32, #tpu.memory_space<vmem>>, %arg15: memref<!tpu.dma_semaphore, #tpu.memory_space<semaphore_mem>>, %arg16: memref<!tpu.dma_semaphore, #tpu.memory_space<semaphore_mem>>) attributes {dimension_semantics = [#tpu.dimension_semantics<core_parallel>, #tpu.dimension_semantics<subcore_parallel>], iteration_bounds = array<i64: 2, 16>, scalar_prefetch = 0 : i64, scratch_operands = 10 : i64, tpu.core_type = #tpu.core_type<sc_vector_subcore>, window_params = [{transform_indices = #map}, {transform_indices = #map}, {transform_indices = #map1}, {transform_indices = #map1}, {transform_indices = #map1}]} {
    %mul3A = arith.constant 2 : i32
    %mul3A_0 = arith.muli %arg1, %mul3A : i32
    %add3A = arith.addi %mul3A_0, %arg0 : i32
    %mul3A_1 = arith.constant 2464 : i32
    %mul3A_2 = arith.muli %add3A, %mul3A_1 : i32
    "tpu.region"() ({
      %run_scoped3A = tpu.sem_alloc : memref<!tpu.dma_semaphore, #tpu.memory_space<semaphore_mem>>
      %dma_start3A_36 = tpu.memref_slice %arg2[%mul3A_2] : memref<78848xi32, #tpu.memory_space<hbm>> -> memref<2464xi32, #tpu.memory_space<hbm>>
      %dma_start3A_37 = tpu.memref_slice %arg2[%mul3A_2] : memref<78848xi32, #tpu.memory_space<hbm>> -> memref<2464xi32, #tpu.memory_space<hbm>>
      tpu.enqueue_dma source(%dma_start3A_37 : memref<2464xi32, #tpu.memory_space<hbm>>) target(%arg7 : memref<2464xi32, #tpu.memory_space<vmem>>) target_semaphore(%run_scoped3A : memref<!tpu.dma_semaphore, #tpu.memory_space<semaphore_mem>>)
      %dma_wait3A_38 = tpu.memref_slice %arg2[%mul3A_2] : memref<78848xi32, #tpu.memory_space<hbm>> -> memref<2464xi32, #tpu.memory_space<hbm>>
      %dma_wait3A_39 = tpu.memref_slice %arg2[%mul3A_2] : memref<78848xi32, #tpu.memory_space<hbm>> -> memref<2464xi32, #tpu.memory_space<hbm>>
      tpu.wait_dma2 semaphore(%run_scoped3A : memref<!tpu.dma_semaphore, #tpu.memory_space<semaphore_mem>>) src(%dma_wait3A_39 : memref<2464xi32, #tpu.memory_space<hbm>>) dst(%arg7 : memref<2464xi32, #tpu.memory_space<vmem>>)
      tpu.yield
    }) : () -> ()
    "tpu.region"() ({
      %run_scoped3A = tpu.sem_alloc : memref<!tpu.dma_semaphore, #tpu.memory_space<semaphore_mem>>
      %dma_start3A_36 = tpu.memref_slice %arg3[%mul3A_2] : memref<78848xi32, #tpu.memory_space<hbm>> -> memref<2464xi32, #tpu.memory_space<hbm>>
      %dma_start3A_37 = tpu.memref_slice %arg3[%mul3A_2] : memref<78848xi32, #tpu.memory_space<hbm>> -> memref<2464xi32, #tpu.memory_space<hbm>>
      tpu.enqueue_dma source(%dma_start3A_37 : memref<2464xi32, #tpu.memory_space<hbm>>) target(%arg8 : memref<2464xi32, #tpu.memory_space<vmem>>) target_semaphore(%run_scoped3A : memref<!tpu.dma_semaphore, #tpu.memory_space<semaphore_mem>>)
      %dma_wait3A_38 = tpu.memref_slice %arg3[%mul3A_2] : memref<78848xi32, #tpu.memory_space<hbm>> -> memref<2464xi32, #tpu.memory_space<hbm>>
      %dma_wait3A_39 = tpu.memref_slice %arg3[%mul3A_2] : memref<78848xi32, #tpu.memory_space<hbm>> -> memref<2464xi32, #tpu.memory_space<hbm>>
      tpu.wait_dma2 semaphore(%run_scoped3A : memref<!tpu.dma_semaphore, #tpu.memory_space<semaphore_mem>>) src(%dma_wait3A_39 : memref<2464xi32, #tpu.memory_space<hbm>>) dst(%arg8 : memref<2464xi32, #tpu.memory_space<vmem>>)
      tpu.yield
    }) : () -> ()
    %mul3A_3 = arith.constant 77 : i32
    %mul3A_4 = arith.muli %add3A, %mul3A_3 : i32
    %broadcast_in_dim3A = vector.broadcast %mul3A_4 : i32 to vector<16xi32>
    %scan3A = arith.constant 0 : i32
    %scan3A_5 = arith.constant 0 : i32
    %scan3A_6 = arith.constant 154 : i32
    %scan3A_7 = arith.addi %scan3A_5, %scan3A_6 : i32
    %scan3A_8 = arith.constant 1 : i32
    scf.for %scan3A_36 = %scan3A_5 to %scan3A_7 step %scan3A_8  : i32 {
      %mul3A_37 = arith.constant 16 : i32
      %mul3A_38 = arith.muli %scan3A_36, %mul3A_37 : i32
      %get3A = arith.index_cast %mul3A_38 : i32 to index
      %get3A_39 = tpu.vector_load %arg8[%get3A] {strides = array<i32>} : memref<2464xi32, #tpu.memory_space<vmem>>, vector<16xi32>,
      %get3A_40 = vector.shape_cast %get3A_39 : vector<16xi32> to vector<16xi32>
      %add3A_41 = arith.addi %get3A_40, %broadcast_in_dim3A : vector<16xi32>
      %swap3A = arith.index_cast %mul3A_38 : i32 to index
      %swap3A_42 = tpu.vector_load %arg8[%swap3A] {strides = array<i32>} : memref<2464xi32, #tpu.memory_space<vmem>>, vector<16xi32>,
      %swap3A_43 = vector.shape_cast %swap3A_42 : vector<16xi32> to vector<16xi32>
      %swap3A_44 = vector.shape_cast %add3A_41 : vector<16xi32> to vector<16xi32>
      tpu.vector_store %arg8[%swap3A], %swap3A_44 {strides = array<i32>} : memref<2464xi32, #tpu.memory_space<vmem>>, vector<16xi32>,
    }
    %scan3A_9 = arith.constant 154 : i32
    %dma_start3A = arith.constant 0 : i32
    %dma_start3A_10 = tpu.memref_slice %arg7[%dma_start3A] : memref<2464xi32, #tpu.memory_space<vmem>> -> memref<32xi32, #tpu.memory_space<vmem>>
    %dma_start3A_11 = arith.constant 0 : i32
    %dma_start3A_12 = arith.constant 0 : i32
    %dma_start3A_13 = tpu.memref_slice %arg4[%dma_start3A_11, %dma_start3A_12] : memref<49408x768xf32, #tpu.memory_space<hbm>> -> memref<49408x768xf32, #tpu.memory_space<hbm>>
    tpu.enqueue_indirect_dma source(%dma_start3A_13 : memref<49408x768xf32, #tpu.memory_space<hbm>>) target(%arg9 : memref<32x768xf32, #tpu.memory_space<vmem>>) offsets(%dma_start3A_10 : memref<32xi32, #tpu.memory_space<vmem>>) semaphore(%arg11 : memref<!tpu.dma_semaphore, #tpu.memory_space<semaphore_mem>>)
    %dma_start3A_14 = arith.constant 0 : i32
    %dma_start3A_15 = tpu.memref_slice %arg8[%dma_start3A_14] : memref<2464xi32, #tpu.memory_space<vmem>> -> memref<32xi32, #tpu.memory_space<vmem>>
    %dma_start3A_16 = arith.constant 0 : i32
    %dma_start3A_17 = arith.constant 0 : i32
    %dma_start3A_18 = tpu.memref_slice %arg5[%dma_start3A_16, %dma_start3A_17] : memref<2464x768xf32, #tpu.memory_space<hbm>> -> memref<2464x768xf32, #tpu.memory_space<hbm>>
    tpu.enqueue_indirect_dma source(%dma_start3A_18 : memref<2464x768xf32, #tpu.memory_space<hbm>>) target(%arg10 : memref<32x768xf32, #tpu.memory_space<vmem>>) offsets(%dma_start3A_15 : memref<32xi32, #tpu.memory_space<vmem>>) semaphore(%arg11 : memref<!tpu.dma_semaphore, #tpu.memory_space<semaphore_mem>>)
    %scan3A_19 = arith.constant 0 : i32
    %scan3A_20 = arith.constant 0 : i32
    %scan3A_21 = arith.constant 77 : i32
    %scan3A_22 = arith.addi %scan3A_20, %scan3A_21 : i32
    %scan3A_23 = arith.constant 1 : i32
    scf.for %scan3A_36 = %scan3A_20 to %scan3A_22 step %scan3A_23  : i32 {
      %jit3A = arith.constant 2 : i32
      %eq3A = arith.constant 0 : i32
      %eq3A_37 = arith.cmpi eq, %jit3A, %eq3A : i32
      %jit3A_38 = arith.constant 1 : i32
      %select_n3A = arith.select %eq3A_37, %jit3A_38, %jit3A : i32
      %rem3A = arith.remsi %scan3A_36, %select_n3A : i32
      %ne3A = arith.constant 0 : i32
      %ne3A_39 = arith.cmpi ne, %rem3A, %ne3A : i32
      %lt3A = arith.constant 0 : i32
      %lt3A_40 = arith.cmpi slt, %rem3A, %lt3A : i32
      %lt3A_41 = arith.constant 0 : i32
      %lt3A_42 = arith.cmpi slt, %select_n3A, %lt3A_41 : i32
      %ne3A_43 = arith.xori %lt3A_40, %lt3A_42 : i1
      %and3A = arith.andi %ne3A_43, %ne3A_39 : i1
      %add3A_44 = arith.addi %rem3A, %select_n3A : i32
      %select_n3A_45 = arith.select %and3A, %add3A_44, %rem3A : i32
      %eq3A_46 = arith.constant 0 : i32
      %eq3A_47 = arith.cmpi eq, %select_n3A_45, %eq3A_46 : i32
      %convert_element_type3A = arith.extui %eq3A_47 : i1 to i32
      %cond3A = arith.constant 0 : i32
      %cond3A_48 = arith.cmpi ne, %convert_element_type3A, %cond3A : i32
      scf.if %cond3A_48 {
        %add3A_70 = arith.constant 2 : i32
        %add3A_71 = arith.addi %scan3A_36, %add3A_70 : i32
        %sub3A = arith.constant 1 : i32
        %sub3A_72 = arith.subi %add3A_71, %sub3A : i32
        %lt3A_73 = arith.constant 77 : i32
        %lt3A_74 = arith.cmpi slt, %sub3A_72, %lt3A_73 : i32
        %convert_element_type3A_75 = arith.extui %lt3A_74 : i1 to i32
        %cond3A_76 = arith.constant 0 : i32
        %cond3A_77 = arith.cmpi ne, %convert_element_type3A_75, %cond3A_76 : i32
        scf.if %cond3A_77 {
          %ge3A = arith.constant 1 : i32
          %ge3A_103 = arith.cmpi sge, %scan3A_36, %ge3A : i32
          %convert_element_type3A_104 = arith.extui %ge3A_103 : i1 to i32
          %cond3A_105 = arith.constant 0 : i32
          %cond3A_106 = arith.cmpi ne, %convert_element_type3A_104, %cond3A_105 : i32
          scf.if %cond3A_106 {
            %dma_wait3A_121 = arith.constant 0 : i32
            %dma_wait3A_122 = arith.constant 0 : i32
            %dma_wait3A_123 = tpu.memref_slice %arg6[%dma_wait3A_121, %dma_wait3A_122] : memref<78848x768xf32, #tpu.memory_space<hbm>> -> memref<32x768xf32, #tpu.memory_space<hbm>>
            %dma_wait3A_124 = arith.constant 0 : i32
            %dma_wait3A_125 = arith.constant 0 : i32
            %dma_wait3A_126 = tpu.memref_slice %arg6[%dma_wait3A_124, %dma_wait3A_125] : memref<78848x768xf32, #tpu.memory_space<hbm>> -> memref<32x768xf32, #tpu.memory_space<hbm>>
            tpu.wait_dma2 semaphore(%arg16 : memref<!tpu.dma_semaphore, #tpu.memory_space<semaphore_mem>>) src(%arg13 : memref<32x768xf32, #tpu.memory_space<vmem>>) dst(%dma_wait3A_126 : memref<32x768xf32, #tpu.memory_space<hbm>>)
          } else {
          }
          %add3A_107 = arith.constant 2 : i32
          %add3A_108 = arith.addi %scan3A_36, %add3A_107 : i32
          %sub3A_109 = arith.constant 1 : i32
          %sub3A_110 = arith.subi %add3A_108, %sub3A_109 : i32
          %mul3A_111 = arith.constant 32 : i32
          %mul3A_112 = arith.muli %sub3A_110, %mul3A_111 : i32
          %dma_start3A_113 = tpu.memref_slice %arg7[%mul3A_112] : memref<2464xi32, #tpu.memory_space<vmem>> -> memref<32xi32, #tpu.memory_space<vmem>>
          %dma_start3A_114 = arith.constant 0 : i32
          %dma_start3A_115 = arith.constant 0 : i32
          %dma_start3A_116 = tpu.memref_slice %arg4[%dma_start3A_114, %dma_start3A_115] : memref<49408x768xf32, #tpu.memory_space<hbm>> -> memref<49408x768xf32, #tpu.memory_space<hbm>>
          tpu.enqueue_indirect_dma source(%dma_start3A_116 : memref<49408x768xf32, #tpu.memory_space<hbm>>) target(%arg13 : memref<32x768xf32, #tpu.memory_space<vmem>>) offsets(%dma_start3A_113 : memref<32xi32, #tpu.memory_space<vmem>>) semaphore(%arg15 : memref<!tpu.dma_semaphore, #tpu.memory_space<semaphore_mem>>)
          %dma_start3A_117 = tpu.memref_slice %arg8[%mul3A_112] : memref<2464xi32, #tpu.memory_space<vmem>> -> memref<32xi32, #tpu.memory_space<vmem>>
          %dma_start3A_118 = arith.constant 0 : i32
          %dma_start3A_119 = arith.constant 0 : i32
          %dma_start3A_120 = tpu.memref_slice %arg5[%dma_start3A_118, %dma_start3A_119] : memref<2464x768xf32, #tpu.memory_space<hbm>> -> memref<2464x768xf32, #tpu.memory_space<hbm>>
          tpu.enqueue_indirect_dma source(%dma_start3A_120 : memref<2464x768xf32, #tpu.memory_space<hbm>>) target(%arg14 : memref<32x768xf32, #tpu.memory_space<vmem>>) offsets(%dma_start3A_117 : memref<32xi32, #tpu.memory_space<vmem>>) semaphore(%arg15 : memref<!tpu.dma_semaphore, #tpu.memory_space<semaphore_mem>>)
        } else {
        }
        %dma_wait3A_78 = arith.constant 0 : i32
        %dma_wait3A_79 = arith.constant 0 : i32
        %dma_wait3A_80 = tpu.memref_slice %arg4[%dma_wait3A_78, %dma_wait3A_79] : memref<49408x768xf32, #tpu.memory_space<hbm>> -> memref<32x768xf32, #tpu.memory_space<hbm>>
        %dma_wait3A_81 = arith.constant 0 : i32
        %dma_wait3A_82 = arith.constant 0 : i32
        %dma_wait3A_83 = tpu.memref_slice %arg4[%dma_wait3A_81, %dma_wait3A_82] : memref<49408x768xf32, #tpu.memory_space<hbm>> -> memref<32x768xf32, #tpu.memory_space<hbm>>
        tpu.wait_dma2 semaphore(%arg11 : memref<!tpu.dma_semaphore, #tpu.memory_space<semaphore_mem>>) src(%dma_wait3A_83 : memref<32x768xf32, #tpu.memory_space<hbm>>) dst(%arg9 : memref<32x768xf32, #tpu.memory_space<vmem>>)
        %dma_wait3A_84 = arith.constant 0 : i32
        %dma_wait3A_85 = arith.constant 0 : i32
        %dma_wait3A_86 = tpu.memref_slice %arg5[%dma_wait3A_84, %dma_wait3A_85] : memref<2464x768xf32, #tpu.memory_space<hbm>> -> memref<32x768xf32, #tpu.memory_space<hbm>>
        %dma_wait3A_87 = arith.constant 0 : i32
        %dma_wait3A_88 = arith.constant 0 : i32
        %dma_wait3A_89 = tpu.memref_slice %arg5[%dma_wait3A_87, %dma_wait3A_88] : memref<2464x768xf32, #tpu.memory_space<hbm>> -> memref<32x768xf32, #tpu.memory_space<hbm>>
        tpu.wait_dma2 semaphore(%arg11 : memref<!tpu.dma_semaphore, #tpu.memory_space<semaphore_mem>>) src(%dma_wait3A_89 : memref<32x768xf32, #tpu.memory_space<hbm>>) dst(%arg10 : memref<32x768xf32, #tpu.memory_space<vmem>>)
        %scan3A_90 = arith.constant 0 : i32
        %scan3A_91 = arith.constant 0 : i32
        %scan3A_92 = arith.constant 32 : i32
        %scan3A_93 = arith.addi %scan3A_91, %scan3A_92 : i32
        %scan3A_94 = arith.constant 1 : i32
        scf.for %scan3A_103 = %scan3A_91 to %scan3A_93 step %scan3A_94  : i32 {
          %get3A = arith.index_cast %scan3A_103 : i32 to index
          %get3A_104 = arith.constant 0 : index
          %get3A_105 = tpu.vector_load %arg10[%get3A, %get3A_104] {strides = array<i32>} : memref<32x768xf32, #tpu.memory_space<vmem>>, vector<1x16xf32>,
          %get3A_106 = vector.shape_cast %get3A_105 : vector<1x16xf32> to vector<16xf32>
          %swap3A = arith.index_cast %scan3A_103 : i32 to index
          %swap3A_107 = arith.constant 0 : index
          %swap3A_108 = tpu.vector_load %arg9[%swap3A, %swap3A_107] {strides = array<i32>} : memref<32x768xf32, #tpu.memory_space<vmem>>, vector<1x16xf32>,
          %swap3A_109 = vector.shape_cast %swap3A_108 : vector<1x16xf32> to vector<16xf32>
          %swap3A_110 = vector.shape_cast %get3A_106 : vector<16xf32> to vector<1x16xf32>
          tpu.vector_store %arg9[%swap3A, %swap3A_107], %swap3A_110 {add = true, strides = array<i32>} : memref<32x768xf32, #tpu.memory_space<vmem>>, vector<1x16xf32>,
          %get3A_111 = arith.index_cast %scan3A_103 : i32 to index
          %get3A_112 = arith.constant 16 : index
          %get3A_113 = tpu.vector_load %arg10[%get3A_111, %get3A_112] {strides = array<i32>} : memref<32x768xf32, #tpu.memory_space<vmem>>, vector<1x16xf32>,
          %get3A_114 = vector.shape_cast %get3A_113 : vector<1x16xf32> to vector<16xf32>
          %swap3A_115 = arith.index_cast %scan3A_103 : i32 to index
          %swap3A_116 = arith.constant 16 : index
          %swap3A_117 = tpu.vector_load %arg9[%swap3A_115, %swap3A_116] {strides = array<i32>} : memref<32x768xf32, #tpu.memory_space<vmem>>, vector<1x16xf32>,
          %swap3A_118 = vector.shape_cast %swap3A_117 : vector<1x16xf32> to vector<16xf32>
          %swap3A_119 = vector.shape_cast %get3A_114 : vector<16xf32> to vector<1x16xf32>
          tpu.vector_store %arg9[%swap3A_115, %swap3A_116], %swap3A_119 {add = true, strides = array<i32>} : memref<32x768xf32, #tpu.memory_space<vmem>>, vector<1x16xf32>,
          %get3A_120 = arith.index_cast %scan3A_103 : i32 to index
          %get3A_121 = arith.constant 32 : index
          %get3A_122 = tpu.vector_load %arg10[%get3A_120, %get3A_121] {strides = array<i32>} : memref<32x768xf32, #tpu.memory_space<vmem>>, vector<1x16xf32>,
          %get3A_123 = vector.shape_cast %get3A_122 : vector<1x16xf32> to vector<16xf32>
          %swap3A_124 = arith.index_cast %scan3A_103 : i32 to index
          %swap3A_125 = arith.constant 32 : index
          %swap3A_126 = tpu.vector_load %arg9[%swap3A_124, %swap3A_125] {strides = array<i32>} : memref<32x768xf32, #tpu.memory_space<vmem>>, vector<1x16xf32>,
          %swap3A_127 = vector.shape_cast %swap3A_126 : vector<1x16xf32> to vector<16xf32>
          %swap3A_128 = vector.shape_cast %get3A_123 : vector<16xf32> to vector<1x16xf32>
          tpu.vector_store %arg9[%swap3A_124, %swap3A_125], %swap3A_128 {add = true, strides = array<i32>} : memref<32x768xf32, #tpu.memory_space<vmem>>, vector<1x16xf32>,
          %get3A_129 = arith.index_cast %scan3A_103 : i32 to index
          %get3A_130 = arith.constant 48 : index
          %get3A_131 = tpu.vector_load %arg10[%get3A_129, %get3A_130] {strides = array<i32>} : memref<32x768xf32, #tpu.memory_space<vmem>>, vector<1x16xf32>,
          %get3A_132 = vector.shape_cast %get3A_131 : vector<1x16xf32> to vector<16xf32>
          %swap3A_133 = arith.index_cast %scan3A_103 : i32 to index
          %swap3A_134 = arith.constant 48 : index
          %swap3A_135 = tpu.vector_load %arg9[%swap3A_133, %swap3A_134] {strides = array<i32>} : memref<32x768xf32, #tpu.memory_space<vmem>>, vector<1x16xf32>,
          %swap3A_136 = vector.shape_cast %swap3A_135 : vector<1x16xf32> to vector<16xf32>
          %swap3A_137 = vector.shape_cast %get3A_132 : vector<16xf32> to vector<1x16xf32>
          tpu.vector_store %arg9[%swap3A_133, %swap3A_134], %swap3A_137 {add = true, strides = array<i32>} : memref<32x768xf32, #tpu.memory_space<vmem>>, vector<1x16xf32>,
          %get3A_138 = arith.index_cast %scan3A_103 : i32 to index
          %get3A_139 = arith.constant 64 : index
          %get3A_140 = tpu.vector_load %arg10[%get3A_138, %get3A_139] {strides = array<i32>} : memref<32x768xf32, #tpu.memory_space<vmem>>, vector<1x16xf32>,
          %get3A_141 = vector.shape_cast %get3A_140 : vector<1x16xf32> to vector<16xf32>
          %swap3A_142 = arith.index_cast %scan3A_103 : i32 to index
          %swap3A_143 = arith.constant 64 : index
          %swap3A_144 = tpu.vector_load %arg9[%swap3A_142, %swap3A_143] {strides = array<i32>} : memref<32x768xf32, #tpu.memory_space<vmem>>, vector<1x16xf32>,
          %swap3A_145 = vector.shape_cast %swap3A_144 : vector<1x16xf32> to vector<16xf32>
          %swap3A_146 = vector.shape_cast %get3A_141 : vector<16xf32> to vector<1x16xf32>
          tpu.vector_store %arg9[%swap3A_142, %swap3A_143], %swap3A_146 {add = true, strides = array<i32>} : memref<32x768xf32, #tpu.memory_space<vmem>>, vector<1x16xf32>,
          %get3A_147 = arith.index_cast %scan3A_103 : i32 to index
          %get3A_148 = arith.constant 80 : index
          %get3A_149 = tpu.vector_load %arg10[%get3A_147, %get3A_148] {strides = array<i32>} : memref<32x768xf32, #tpu.memory_space<vmem>>, vector<1x16xf32>,
          %get3A_150 = vector.shape_cast %get3A_149 : vector<1x16xf32> to vector<16xf32>
          %swap3A_151 = arith.index_cast %scan3A_103 : i32 to index
          %swap3A_152 = arith.constant 80 : index
          %swap3A_153 = tpu.vector_load %arg9[%swap3A_151, %swap3A_152] {strides = array<i32>} : memref<32x768xf32, #tpu.memory_space<vmem>>, vector<1x16xf32>,
          %swap3A_154 = vector.shape_cast %swap3A_153 : vector<1x16xf32> to vector<16xf32>
          %swap3A_155 = vector.shape_cast %get3A_150 : vector<16xf32> to vector<1x16xf32>
          tpu.vector_store %arg9[%swap3A_151, %swap3A_152], %swap3A_155 {add = true, strides = array<i32>} : memref<32x768xf32, #tpu.memory_space<vmem>>, vector<1x16xf32>,
          %get3A_156 = arith.index_cast %scan3A_103 : i32 to index
          %get3A_157 = arith.constant 96 : index
          %get3A_158 = tpu.vector_load %arg10[%get3A_156, %get3A_157] {strides = array<i32>} : memref<32x768xf32, #tpu.memory_space<vmem>>, vector<1x16xf32>,
          %get3A_159 = vector.shape_cast %get3A_158 : vector<1x16xf32> to vector<16xf32>
          %swap3A_160 = arith.index_cast %scan3A_103 : i32 to index
          %swap3A_161 = arith.constant 96 : index
          %swap3A_162 = tpu.vector_load %arg9[%swap3A_160, %swap3A_161] {strides = array<i32>} : memref<32x768xf32, #tpu.memory_space<vmem>>, vector<1x16xf32>,
          %swap3A_163 = vector.shape_cast %swap3A_162 : vector<1x16xf32> to vector<16xf32>
          %swap3A_164 = vector.shape_cast %get3A_159 : vector<16xf32> to vector<1x16xf32>
          tpu.vector_store %arg9[%swap3A_160, %swap3A_161], %swap3A_164 {add = true, strides = array<i32>} : memref<32x768xf32, #tpu.memory_space<vmem>>, vector<1x16xf32>,
          %get3A_165 = arith.index_cast %scan3A_103 : i32 to index
          %get3A_166 = arith.constant 112 : index
          %get3A_167 = tpu.vector_load %arg10[%get3A_165, %get3A_166] {strides = array<i32>} : memref<32x768xf32, #tpu.memory_space<vmem>>, vector<1x16xf32>,
          %get3A_168 = vector.shape_cast %get3A_167 : vector<1x16xf32> to vector<16xf32>
          %swap3A_169 = arith.index_cast %scan3A_103 : i32 to index
          %swap3A_170 = arith.constant 112 : index
          %swap3A_171 = tpu.vector_load %arg9[%swap3A_169, %swap3A_170] {strides = array<i32>} : memref<32x768xf32, #tpu.memory_space<vmem>>, vector<1x16xf32>,
          %swap3A_172 = vector.shape_cast %swap3A_171 : vector<1x16xf32> to vector<16xf32>
          %swap3A_173 = vector.shape_cast %get3A_168 : vector<16xf32> to vector<1x16xf32>
          tpu.vector_store %arg9[%swap3A_169, %swap3A_170], %swap3A_173 {add = true, strides = array<i32>} : memref<32x768xf32, #tpu.memory_space<vmem>>, vector<1x16xf32>,
          %get3A_174 = arith.index_cast %scan3A_103 : i32 to index
          %get3A_175 = arith.constant 128 : index
          %get3A_176 = tpu.vector_load %arg10[%get3A_174, %get3A_175] {strides = array<i32>} : memref<32x768xf32, #tpu.memory_space<vmem>>, vector<1x16xf32>,
          %get3A_177 = vector.shape_cast %get3A_176 : vector<1x16xf32> to vector<16xf32>
          %swap3A_178 = arith.index_cast %scan3A_103 : i32 to index
          %swap3A_179 = arith.constant 128 : index
          %swap3A_180 = tpu.vector_load %arg9[%swap3A_178, %swap3A_179] {strides = array<i32>} : memref<32x768xf32, #tpu.memory_space<vmem>>, vector<1x16xf32>,
          %swap3A_181 = vector.shape_cast %swap3A_180 : vector<1x16xf32> to vector<16xf32>
          %swap3A_182 = vector.shape_cast %get3A_177 : vector<16xf32> to vector<1x16xf32>
          tpu.vector_store %arg9[%swap3A_178, %swap3A_179], %swap3A_182 {add = true, strides = array<i32>} : memref<32x768xf32, #tpu.memory_space<vmem>>, vector<1x16xf32>,
          %get3A_183 = arith.index_cast %scan3A_103 : i32 to index
          %get3A_184 = arith.constant 144 : index
          %get3A_185 = tpu.vector_load %arg10[%get3A_183, %get3A_184] {strides = array<i32>} : memref<32x768xf32, #tpu.memory_space<vmem>>, vector<1x16xf32>,
          %get3A_186 = vector.shape_cast %get3A_185 : vector<1x16xf32> to vector<16xf32>
          %swap3A_187 = arith.index_cast %scan3A_103 : i32 to index
          %swap3A_188 = arith.constant 144 : index
          %swap3A_189 = tpu.vector_load %arg9[%swap3A_187, %swap3A_188] {strides = array<i32>} : memref<32x768xf32, #tpu.memory_space<vmem>>, vector<1x16xf32>,
          %swap3A_190 = vector.shape_cast %swap3A_189 : vector<1x16xf32> to vector<16xf32>
          %swap3A_191 = vector.shape_cast %get3A_186 : vector<16xf32> to vector<1x16xf32>
          tpu.vector_store %arg9[%swap3A_187, %swap3A_188], %swap3A_191 {add = true, strides = array<i32>} : memref<32x768xf32, #tpu.memory_space<vmem>>, vector<1x16xf32>,
          %get3A_192 = arith.index_cast %scan3A_103 : i32 to index
          %get3A_193 = arith.constant 160 : index
          %get3A_194 = tpu.vector_load %arg10[%get3A_192, %get3A_193] {strides = array<i32>} : memref<32x768xf32, #tpu.memory_space<vmem>>, vector<1x16xf32>,
          %get3A_195 = vector.shape_cast %get3A_194 : vector<1x16xf32> to vector<16xf32>
          %swap3A_196 = arith.index_cast %scan3A_103 : i32 to index
          %swap3A_197 = arith.constant 160 : index
          %swap3A_198 = tpu.vector_load %arg9[%swap3A_196, %swap3A_197] {strides = array<i32>} : memref<32x768xf32, #tpu.memory_space<vmem>>, vector<1x16xf32>,
          %swap3A_199 = vector.shape_cast %swap3A_198 : vector<1x16xf32> to vector<16xf32>
          %swap3A_200 = vector.shape_cast %get3A_195 : vector<16xf32> to vector<1x16xf32>
          tpu.vector_store %arg9[%swap3A_196, %swap3A_197], %swap3A_200 {add = true, strides = array<i32>} : memref<32x768xf32, #tpu.memory_space<vmem>>, vector<1x16xf32>,
          %get3A_201 = arith.index_cast %scan3A_103 : i32 to index
          %get3A_202 = arith.constant 176 : index
          %get3A_203 = tpu.vector_load %arg10[%get3A_201, %get3A_202] {strides = array<i32>} : memref<32x768xf32, #tpu.memory_space<vmem>>, vector<1x16xf32>,
          %get3A_204 = vector.shape_cast %get3A_203 : vector<1x16xf32> to vector<16xf32>
          %swap3A_205 = arith.index_cast %scan3A_103 : i32 to index
          %swap3A_206 = arith.constant 176 : index
          %swap3A_207 = tpu.vector_load %arg9[%swap3A_205, %swap3A_206] {strides = array<i32>} : memref<32x768xf32, #tpu.memory_space<vmem>>, vector<1x16xf32>,
          %swap3A_208 = vector.shape_cast %swap3A_207 : vector<1x16xf32> to vector<16xf32>
          %swap3A_209 = vector.shape_cast %get3A_204 : vector<16xf32> to vector<1x16xf32>
          tpu.vector_store %arg9[%swap3A_205, %swap3A_206], %swap3A_209 {add = true, strides = array<i32>} : memref<32x768xf32, #tpu.memory_space<vmem>>, vector<1x16xf32>,
          %get3A_210 = arith.index_cast %scan3A_103 : i32 to index
          %get3A_211 = arith.constant 192 : index
          %get3A_212 = tpu.vector_load %arg10[%get3A_210, %get3A_211] {strides = array<i32>} : memref<32x768xf32, #tpu.memory_space<vmem>>, vector<1x16xf32>,
          %get3A_213 = vector.shape_cast %get3A_212 : vector<1x16xf32> to vector<16xf32>
          %swap3A_214 = arith.index_cast %scan3A_103 : i32 to index
          %swap3A_215 = arith.constant 192 : index
          %swap3A_216 = tpu.vector_load %arg9[%swap3A_214, %swap3A_215] {strides = array<i32>} : memref<32x768xf32, #tpu.memory_space<vmem>>, vector<1x16xf32>,
          %swap3A_217 = vector.shape_cast %swap3A_216 : vector<1x16xf32> to vector<16xf32>
          %swap3A_218 = vector.shape_cast %get3A_213 : vector<16xf32> to vector<1x16xf32>
          tpu.vector_store %arg9[%swap3A_214, %swap3A_215], %swap3A_218 {add = true, strides = array<i32>} : memref<32x768xf32, #tpu.memory_space<vmem>>, vector<1x16xf32>,
          %get3A_219 = arith.index_cast %scan3A_103 : i32 to index
          %get3A_220 = arith.constant 208 : index
          %get3A_221 = tpu.vector_load %arg10[%get3A_219, %get3A_220] {strides = array<i32>} : memref<32x768xf32, #tpu.memory_space<vmem>>, vector<1x16xf32>,
          %get3A_222 = vector.shape_cast %get3A_221 : vector<1x16xf32> to vector<16xf32>
          %swap3A_223 = arith.index_cast %scan3A_103 : i32 to index
          %swap3A_224 = arith.constant 208 : index
          %swap3A_225 = tpu.vector_load %arg9[%swap3A_223, %swap3A_224] {strides = array<i32>} : memref<32x768xf32, #tpu.memory_space<vmem>>, vector<1x16xf32>,
          %swap3A_226 = vector.shape_cast %swap3A_225 : vector<1x16xf32> to vector<16xf32>
          %swap3A_227 = vector.shape_cast %get3A_222 : vector<16xf32> to vector<1x16xf32>
          tpu.vector_store %arg9[%swap3A_223, %swap3A_224], %swap3A_227 {add = true, strides = array<i32>} : memref<32x768xf32, #tpu.memory_space<vmem>>, vector<1x16xf32>,
          %get3A_228 = arith.index_cast %scan3A_103 : i32 to index
          %get3A_229 = arith.constant 224 : index
          %get3A_230 = tpu.vector_load %arg10[%get3A_228, %get3A_229] {strides = array<i32>} : memref<32x768xf32, #tpu.memory_space<vmem>>, vector<1x16xf32>,
          %get3A_231 = vector.shape_cast %get3A_230 : vector<1x16xf32> to vector<16xf32>
          %swap3A_232 = arith.index_cast %scan3A_103 : i32 to index
          %swap3A_233 = arith.constant 224 : index
          %swap3A_234 = tpu.vector_load %arg9[%swap3A_232, %swap3A_233] {strides = array<i32>} : memref<32x768xf32, #tpu.memory_space<vmem>>, vector<1x16xf32>,
          %swap3A_235 = vector.shape_cast %swap3A_234 : vector<1x16xf32> to vector<16xf32>
          %swap3A_236 = vector.shape_cast %get3A_231 : vector<16xf32> to vector<1x16xf32>
          tpu.vector_store %arg9[%swap3A_232, %swap3A_233], %swap3A_236 {add = true, strides = array<i32>} : memref<32x768xf32, #tpu.memory_space<vmem>>, vector<1x16xf32>,
          %get3A_237 = arith.index_cast %scan3A_103 : i32 to index
          %get3A_238 = arith.constant 240 : index
          %get3A_239 = tpu.vector_load %arg10[%get3A_237, %get3A_238] {strides = array<i32>} : memref<32x768xf32, #tpu.memory_space<vmem>>, vector<1x16xf32>,
          %get3A_240 = vector.shape_cast %get3A_239 : vector<1x16xf32> to vector<16xf32>
          %swap3A_241 = arith.index_cast %scan3A_103 : i32 to index
          %swap3A_242 = arith.constant 240 : index
          %swap3A_243 = tpu.vector_load %arg9[%swap3A_241, %swap3A_242] {strides = array<i32>} : memref<32x768xf32, #tpu.memory_space<vmem>>, vector<1x16xf32>,
          %swap3A_244 = vector.shape_cast %swap3A_243 : vector<1x16xf32> to vector<16xf32>
          %swap3A_245 = vector.shape_cast %get3A_240 : vector<16xf32> to vector<1x16xf32>
          tpu.vector_store %arg9[%swap3A_241, %swap3A_242], %swap3A_245 {add = true, strides = array<i32>} : memref<32x768xf32, #tpu.memory_space<vmem>>, vector<1x16xf32>,
          %get3A_246 = arith.index_cast %scan3A_103 : i32 to index
          %get3A_247 = arith.constant 256 : index
          %get3A_248 = tpu.vector_load %arg10[%get3A_246, %get3A_247] {strides = array<i32>} : memref<32x768xf32, #tpu.memory_space<vmem>>, vector<1x16xf32>,
          %get3A_249 = vector.shape_cast %get3A_248 : vector<1x16xf32> to vector<16xf32>
          %swap3A_250 = arith.index_cast %scan3A_103 : i32 to index
          %swap3A_251 = arith.constant 256 : index
          %swap3A_252 = tpu.vector_load %arg9[%swap3A_250, %swap3A_251] {strides = array<i32>} : memref<32x768xf32, #tpu.memory_space<vmem>>, vector<1x16xf32>,
          %swap3A_253 = vector.shape_cast %swap3A_252 : vector<1x16xf32> to vector<16xf32>
          %swap3A_254 = vector.shape_cast %get3A_249 : vector<16xf32> to vector<1x16xf32>
          tpu.vector_store %arg9[%swap3A_250, %swap3A_251], %swap3A_254 {add = true, strides = array<i32>} : memref<32x768xf32, #tpu.memory_space<vmem>>, vector<1x16xf32>,
          %get3A_255 = arith.index_cast %scan3A_103 : i32 to index
          %get3A_256 = arith.constant 272 : index
          %get3A_257 = tpu.vector_load %arg10[%get3A_255, %get3A_256] {strides = array<i32>} : memref<32x768xf32, #tpu.memory_space<vmem>>, vector<1x16xf32>,
          %get3A_258 = vector.shape_cast %get3A_257 : vector<1x16xf32> to vector<16xf32>
          %swap3A_259 = arith.index_cast %scan3A_103 : i32 to index
          %swap3A_260 = arith.constant 272 : index
          %swap3A_261 = tpu.vector_load %arg9[%swap3A_259, %swap3A_260] {strides = array<i32>} : memref<32x768xf32, #tpu.memory_space<vmem>>, vector<1x16xf32>,
          %swap3A_262 = vector.shape_cast %swap3A_261 : vector<1x16xf32> to vector<16xf32>
          %swap3A_263 = vector.shape_cast %get3A_258 : vector<16xf32> to vector<1x16xf32>
          tpu.vector_store %arg9[%swap3A_259, %swap3A_260], %swap3A_263 {add = true, strides = array<i32>} : memref<32x768xf32, #tpu.memory_space<vmem>>, vector<1x16xf32>,
          %get3A_264 = arith.index_cast %scan3A_103 : i32 to index
          %get3A_265 = arith.constant 288 : index
          %get3A_266 = tpu.vector_load %arg10[%get3A_264, %get3A_265] {strides = array<i32>} : memref<32x768xf32, #tpu.memory_space<vmem>>, vector<1x16xf32>,
          %get3A_267 = vector.shape_cast %get3A_266 : vector<1x16xf32> to vector<16xf32>
          %swap3A_268 = arith.index_cast %scan3A_103 : i32 to index
          %swap3A_269 = arith.constant 288 : index
          %swap3A_270 = tpu.vector_load %arg9[%swap3A_268, %swap3A_269] {strides = array<i32>} : memref<32x768xf32, #tpu.memory_space<vmem>>, vector<1x16xf32>,
          %swap3A_271 = vector.shape_cast %swap3A_270 : vector<1x16xf32> to vector<16xf32>
          %swap3A_272 = vector.shape_cast %get3A_267 : vector<16xf32> to vector<1x16xf32>
          tpu.vector_store %arg9[%swap3A_268, %swap3A_269], %swap3A_272 {add = true, strides = array<i32>} : memref<32x768xf32, #tpu.memory_space<vmem>>, vector<1x16xf32>,
          %get3A_273 = arith.index_cast %scan3A_103 : i32 to index
          %get3A_274 = arith.constant 304 : index
          %get3A_275 = tpu.vector_load %arg10[%get3A_273, %get3A_274] {strides = array<i32>} : memref<32x768xf32, #tpu.memory_space<vmem>>, vector<1x16xf32>,
          %get3A_276 = vector.shape_cast %get3A_275 : vector<1x16xf32> to vector<16xf32>
          %swap3A_277 = arith.index_cast %scan3A_103 : i32 to index
          %swap3A_278 = arith.constant 304 : index
          %swap3A_279 = tpu.vector_load %arg9[%swap3A_277, %swap3A_278] {strides = array<i32>} : memref<32x768xf32, #tpu.memory_space<vmem>>, vector<1x16xf32>,
          %swap3A_280 = vector.shape_cast %swap3A_279 : vector<1x16xf32> to vector<16xf32>
          %swap3A_281 = vector.shape_cast %get3A_276 : vector<16xf32> to vector<1x16xf32>
          tpu.vector_store %arg9[%swap3A_277, %swap3A_278], %swap3A_281 {add = true, strides = array<i32>} : memref<32x768xf32, #tpu.memory_space<vmem>>, vector<1x16xf32>,
          %get3A_282 = arith.index_cast %scan3A_103 : i32 to index
          %get3A_283 = arith.constant 320 : index
          %get3A_284 = tpu.vector_load %arg10[%get3A_282, %get3A_283] {strides = array<i32>} : memref<32x768xf32, #tpu.memory_space<vmem>>, vector<1x16xf32>,
          %get3A_285 = vector.shape_cast %get3A_284 : vector<1x16xf32> to vector<16xf32>
          %swap3A_286 = arith.index_cast %scan3A_103 : i32 to index
          %swap3A_287 = arith.constant 320 : index
          %swap3A_288 = tpu.vector_load %arg9[%swap3A_286, %swap3A_287] {strides = array<i32>} : memref<32x768xf32, #tpu.memory_space<vmem>>, vector<1x16xf32>,
          %swap3A_289 = vector.shape_cast %swap3A_288 : vector<1x16xf32> to vector<16xf32>
          %swap3A_290 = vector.shape_cast %get3A_285 : vector<16xf32> to vector<1x16xf32>
          tpu.vector_store %arg9[%swap3A_286, %swap3A_287], %swap3A_290 {add = true, strides = array<i32>} : memref<32x768xf32, #tpu.memory_space<vmem>>, vector<1x16xf32>,
          %get3A_291 = arith.index_cast %scan3A_103 : i32 to index
          %get3A_292 = arith.constant 336 : index
          %get3A_293 = tpu.vector_load %arg10[%get3A_291, %get3A_292] {strides = array<i32>} : memref<32x768xf32, #tpu.memory_space<vmem>>, vector<1x16xf32>,
          %get3A_294 = vector.shape_cast %get3A_293 : vector<1x16xf32> to vector<16xf32>
          %swap3A_295 = arith.index_cast %scan3A_103 : i32 to index
          %swap3A_296 = arith.constant 336 : index
          %swap3A_297 = tpu.vector_load %arg9[%swap3A_295, %swap3A_296] {strides = array<i32>} : memref<32x768xf32, #tpu.memory_space<vmem>>, vector<1x16xf32>,
          %swap3A_298 = vector.shape_cast %swap3A_297 : vector<1x16xf32> to vector<16xf32>
          %swap3A_299 = vector.shape_cast %get3A_294 : vector<16xf32> to vector<1x16xf32>
          tpu.vector_store %arg9[%swap3A_295, %swap3A_296], %swap3A_299 {add = true, strides = array<i32>} : memref<32x768xf32, #tpu.memory_space<vmem>>, vector<1x16xf32>,
          %get3A_300 = arith.index_cast %scan3A_103 : i32 to index
          %get3A_301 = arith.constant 352 : index
          %get3A_302 = tpu.vector_load %arg10[%get3A_300, %get3A_301] {strides = array<i32>} : memref<32x768xf32, #tpu.memory_space<vmem>>, vector<1x16xf32>,
          %get3A_303 = vector.shape_cast %get3A_302 : vector<1x16xf32> to vector<16xf32>
          %swap3A_304 = arith.index_cast %scan3A_103 : i32 to index
          %swap3A_305 = arith.constant 352 : index
          %swap3A_306 = tpu.vector_load %arg9[%swap3A_304, %swap3A_305] {strides = array<i32>} : memref<32x768xf32, #tpu.memory_space<vmem>>, vector<1x16xf32>,
          %swap3A_307 = vector.shape_cast %swap3A_306 : vector<1x16xf32> to vector<16xf32>
          %swap3A_308 = vector.shape_cast %get3A_303 : vector<16xf32> to vector<1x16xf32>
          tpu.vector_store %arg9[%swap3A_304, %swap3A_305], %swap3A_308 {add = true, strides = array<i32>} : memref<32x768xf32, #tpu.memory_space<vmem>>, vector<1x16xf32>,
          %get3A_309 = arith.index_cast %scan3A_103 : i32 to index
          %get3A_310 = arith.constant 368 : index
          %get3A_311 = tpu.vector_load %arg10[%get3A_309, %get3A_310] {strides = array<i32>} : memref<32x768xf32, #tpu.memory_space<vmem>>, vector<1x16xf32>,
          %get3A_312 = vector.shape_cast %get3A_311 : vector<1x16xf32> to vector<16xf32>
          %swap3A_313 = arith.index_cast %scan3A_103 : i32 to index
          %swap3A_314 = arith.constant 368 : index
          %swap3A_315 = tpu.vector_load %arg9[%swap3A_313, %swap3A_314] {strides = array<i32>} : memref<32x768xf32, #tpu.memory_space<vmem>>, vector<1x16xf32>,
          %swap3A_316 = vector.shape_cast %swap3A_315 : vector<1x16xf32> to vector<16xf32>
          %swap3A_317 = vector.shape_cast %get3A_312 : vector<16xf32> to vector<1x16xf32>
          tpu.vector_store %arg9[%swap3A_313, %swap3A_314], %swap3A_317 {add = true, strides = array<i32>} : memref<32x768xf32, #tpu.memory_space<vmem>>, vector<1x16xf32>,
          %get3A_318 = arith.index_cast %scan3A_103 : i32 to index
          %get3A_319 = arith.constant 384 : index
          %get3A_320 = tpu.vector_load %arg10[%get3A_318, %get3A_319] {strides = array<i32>} : memref<32x768xf32, #tpu.memory_space<vmem>>, vector<1x16xf32>,
          %get3A_321 = vector.shape_cast %get3A_320 : vector<1x16xf32> to vector<16xf32>
          %swap3A_322 = arith.index_cast %scan3A_103 : i32 to index
          %swap3A_323 = arith.constant 384 : index
          %swap3A_324 = tpu.vector_load %arg9[%swap3A_322, %swap3A_323] {strides = array<i32>} : memref<32x768xf32, #tpu.memory_space<vmem>>, vector<1x16xf32>,
          %swap3A_325 = vector.shape_cast %swap3A_324 : vector<1x16xf32> to vector<16xf32>
          %swap3A_326 = vector.shape_cast %get3A_321 : vector<16xf32> to vector<1x16xf32>
          tpu.vector_store %arg9[%swap3A_322, %swap3A_323], %swap3A_326 {add = true, strides = array<i32>} : memref<32x768xf32, #tpu.memory_space<vmem>>, vector<1x16xf32>,
          %get3A_327 = arith.index_cast %scan3A_103 : i32 to index
          %get3A_328 = arith.constant 400 : index
          %get3A_329 = tpu.vector_load %arg10[%get3A_327, %get3A_328] {strides = array<i32>} : memref<32x768xf32, #tpu.memory_space<vmem>>, vector<1x16xf32>,
          %get3A_330 = vector.shape_cast %get3A_329 : vector<1x16xf32> to vector<16xf32>
          %swap3A_331 = arith.index_cast %scan3A_103 : i32 to index
          %swap3A_332 = arith.constant 400 : index
          %swap3A_333 = tpu.vector_load %arg9[%swap3A_331, %swap3A_332] {strides = array<i32>} : memref<32x768xf32, #tpu.memory_space<vmem>>, vector<1x16xf32>,
          %swap3A_334 = vector.shape_cast %swap3A_333 : vector<1x16xf32> to vector<16xf32>
          %swap3A_335 = vector.shape_cast %get3A_330 : vector<16xf32> to vector<1x16xf32>
          tpu.vector_store %arg9[%swap3A_331, %swap3A_332], %swap3A_335 {add = true, strides = array<i32>} : memref<32x768xf32, #tpu.memory_space<vmem>>, vector<1x16xf32>,
          %get3A_336 = arith.index_cast %scan3A_103 : i32 to index
          %get3A_337 = arith.constant 416 : index
          %get3A_338 = tpu.vector_load %arg10[%get3A_336, %get3A_337] {strides = array<i32>} : memref<32x768xf32, #tpu.memory_space<vmem>>, vector<1x16xf32>,
          %get3A_339 = vector.shape_cast %get3A_338 : vector<1x16xf32> to vector<16xf32>
          %swap3A_340 = arith.index_cast %scan3A_103 : i32 to index
          %swap3A_341 = arith.constant 416 : index
          %swap3A_342 = tpu.vector_load %arg9[%swap3A_340, %swap3A_341] {strides = array<i32>} : memref<32x768xf32, #tpu.memory_space<vmem>>, vector<1x16xf32>,
          %swap3A_343 = vector.shape_cast %swap3A_342 : vector<1x16xf32> to vector<16xf32>
          %swap3A_344 = vector.shape_cast %get3A_339 : vector<16xf32> to vector<1x16xf32>
          tpu.vector_store %arg9[%swap3A_340, %swap3A_341], %swap3A_344 {add = true, strides = array<i32>} : memref<32x768xf32, #tpu.memory_space<vmem>>, vector<1x16xf32>,
          %get3A_345 = arith.index_cast %scan3A_103 : i32 to index
          %get3A_346 = arith.constant 432 : index
          %get3A_347 = tpu.vector_load %arg10[%get3A_345, %get3A_346] {strides = array<i32>} : memref<32x768xf32, #tpu.memory_space<vmem>>, vector<1x16xf32>,
          %get3A_348 = vector.shape_cast %get3A_347 : vector<1x16xf32> to vector<16xf32>
          %swap3A_349 = arith.index_cast %scan3A_103 : i32 to index
          %swap3A_350 = arith.constant 432 : index
          %swap3A_351 = tpu.vector_load %arg9[%swap3A_349, %swap3A_350] {strides = array<i32>} : memref<32x768xf32, #tpu.memory_space<vmem>>, vector<1x16xf32>,
          %swap3A_352 = vector.shape_cast %swap3A_351 : vector<1x16xf32> to vector<16xf32>
          %swap3A_353 = vector.shape_cast %get3A_348 : vector<16xf32> to vector<1x16xf32>
          tpu.vector_store %arg9[%swap3A_349, %swap3A_350], %swap3A_353 {add = true, strides = array<i32>} : memref<32x768xf32, #tpu.memory_space<vmem>>, vector<1x16xf32>,
          %get3A_354 = arith.index_cast %scan3A_103 : i32 to index
          %get3A_355 = arith.constant 448 : index
          %get3A_356 = tpu.vector_load %arg10[%get3A_354, %get3A_355] {strides = array<i32>} : memref<32x768xf32, #tpu.memory_space<vmem>>, vector<1x16xf32>,
          %get3A_357 = vector.shape_cast %get3A_356 : vector<1x16xf32> to vector<16xf32>
          %swap3A_358 = arith.index_cast %scan3A_103 : i32 to index
          %swap3A_359 = arith.constant 448 : index
          %swap3A_360 = tpu.vector_load %arg9[%swap3A_358, %swap3A_359] {strides = array<i32>} : memref<32x768xf32, #tpu.memory_space<vmem>>, vector<1x16xf32>,
          %swap3A_361 = vector.shape_cast %swap3A_360 : vector<1x16xf32> to vector<16xf32>
          %swap3A_362 = vector.shape_cast %get3A_357 : vector<16xf32> to vector<1x16xf32>
          tpu.vector_store %arg9[%swap3A_358, %swap3A_359], %swap3A_362 {add = true, strides = array<i32>} : memref<32x768xf32, #tpu.memory_space<vmem>>, vector<1x16xf32>,
          %get3A_363 = arith.index_cast %scan3A_103 : i32 to index
          %get3A_364 = arith.constant 464 : index
          %get3A_365 = tpu.vector_load %arg10[%get3A_363, %get3A_364] {strides = array<i32>} : memref<32x768xf32, #tpu.memory_space<vmem>>, vector<1x16xf32>,
          %get3A_366 = vector.shape_cast %get3A_365 : vector<1x16xf32> to vector<16xf32>
          %swap3A_367 = arith.index_cast %scan3A_103 : i32 to index
          %swap3A_368 = arith.constant 464 : index
          %swap3A_369 = tpu.vector_load %arg9[%swap3A_367, %swap3A_368] {strides = array<i32>} : memref<32x768xf32, #tpu.memory_space<vmem>>, vector<1x16xf32>,
          %swap3A_370 = vector.shape_cast %swap3A_369 : vector<1x16xf32> to vector<16xf32>
          %swap3A_371 = vector.shape_cast %get3A_366 : vector<16xf32> to vector<1x16xf32>
          tpu.vector_store %arg9[%swap3A_367, %swap3A_368], %swap3A_371 {add = true, strides = array<i32>} : memref<32x768xf32, #tpu.memory_space<vmem>>, vector<1x16xf32>,
          %get3A_372 = arith.index_cast %scan3A_103 : i32 to index
          %get3A_373 = arith.constant 480 : index
          %get3A_374 = tpu.vector_load %arg10[%get3A_372, %get3A_373] {strides = array<i32>} : memref<32x768xf32, #tpu.memory_space<vmem>>, vector<1x16xf32>,
          %get3A_375 = vector.shape_cast %get3A_374 : vector<1x16xf32> to vector<16xf32>
          %swap3A_376 = arith.index_cast %scan3A_103 : i32 to index
          %swap3A_377 = arith.constant 480 : index
          %swap3A_378 = tpu.vector_load %arg9[%swap3A_376, %swap3A_377] {strides = array<i32>} : memref<32x768xf32, #tpu.memory_space<vmem>>, vector<1x16xf32>,
          %swap3A_379 = vector.shape_cast %swap3A_378 : vector<1x16xf32> to vector<16xf32>
          %swap3A_380 = vector.shape_cast %get3A_375 : vector<16xf32> to vector<1x16xf32>
          tpu.vector_store %arg9[%swap3A_376, %swap3A_377], %swap3A_380 {add = true, strides = array<i32>} : memref<32x768xf32, #tpu.memory_space<vmem>>, vector<1x16xf32>,
          %get3A_381 = arith.index_cast %scan3A_103 : i32 to index
          %get3A_382 = arith.constant 496 : index
          %get3A_383 = tpu.vector_load %arg10[%get3A_381, %get3A_382] {strides = array<i32>} : memref<32x768xf32, #tpu.memory_space<vmem>>, vector<1x16xf32>,
          %get3A_384 = vector.shape_cast %get3A_383 : vector<1x16xf32> to vector<16xf32>
          %swap3A_385 = arith.index_cast %scan3A_103 : i32 to index
          %swap3A_386 = arith.constant 496 : index
          %swap3A_387 = tpu.vector_load %arg9[%swap3A_385, %swap3A_386] {strides = array<i32>} : memref<32x768xf32, #tpu.memory_space<vmem>>, vector<1x16xf32>,
          %swap3A_388 = vector.shape_cast %swap3A_387 : vector<1x16xf32> to vector<16xf32>
          %swap3A_389 = vector.shape_cast %get3A_384 : vector<16xf32> to vector<1x16xf32>
          tpu.vector_store %arg9[%swap3A_385, %swap3A_386], %swap3A_389 {add = true, strides = array<i32>} : memref<32x768xf32, #tpu.memory_space<vmem>>, vector<1x16xf32>,
          %get3A_390 = arith.index_cast %scan3A_103 : i32 to index
          %get3A_391 = arith.constant 512 : index
          %get3A_392 = tpu.vector_load %arg10[%get3A_390, %get3A_391] {strides = array<i32>} : memref<32x768xf32, #tpu.memory_space<vmem>>, vector<1x16xf32>,
          %get3A_393 = vector.shape_cast %get3A_392 : vector<1x16xf32> to vector<16xf32>
          %swap3A_394 = arith.index_cast %scan3A_103 : i32 to index
          %swap3A_395 = arith.constant 512 : index
          %swap3A_396 = tpu.vector_load %arg9[%swap3A_394, %swap3A_395] {strides = array<i32>} : memref<32x768xf32, #tpu.memory_space<vmem>>, vector<1x16xf32>,
          %swap3A_397 = vector.shape_cast %swap3A_396 : vector<1x16xf32> to vector<16xf32>
          %swap3A_398 = vector.shape_cast %get3A_393 : vector<16xf32> to vector<1x16xf32>
          tpu.vector_store %arg9[%swap3A_394, %swap3A_395], %swap3A_398 {add = true, strides = array<i32>} : memref<32x768xf32, #tpu.memory_space<vmem>>, vector<1x16xf32>,
          %get3A_399 = arith.index_cast %scan3A_103 : i32 to index
          %get3A_400 = arith.constant 528 : index
          %get3A_401 = tpu.vector_load %arg10[%get3A_399, %get3A_400] {strides = array<i32>} : memref<32x768xf32, #tpu.memory_space<vmem>>, vector<1x16xf32>,
          %get3A_402 = vector.shape_cast %get3A_401 : vector<1x16xf32> to vector<16xf32>
          %swap3A_403 = arith.index_cast %scan3A_103 : i32 to index
          %swap3A_404 = arith.constant 528 : index
          %swap3A_405 = tpu.vector_load %arg9[%swap3A_403, %swap3A_404] {strides = array<i32>} : memref<32x768xf32, #tpu.memory_space<vmem>>, vector<1x16xf32>,
          %swap3A_406 = vector.shape_cast %swap3A_405 : vector<1x16xf32> to vector<16xf32>
          %swap3A_407 = vector.shape_cast %get3A_402 : vector<16xf32> to vector<1x16xf32>
          tpu.vector_store %arg9[%swap3A_403, %swap3A_404], %swap3A_407 {add = true, strides = array<i32>} : memref<32x768xf32, #tpu.memory_space<vmem>>, vector<1x16xf32>,
          %get3A_408 = arith.index_cast %scan3A_103 : i32 to index
          %get3A_409 = arith.constant 544 : index
          %get3A_410 = tpu.vector_load %arg10[%get3A_408, %get3A_409] {strides = array<i32>} : memref<32x768xf32, #tpu.memory_space<vmem>>, vector<1x16xf32>,
          %get3A_411 = vector.shape_cast %get3A_410 : vector<1x16xf32> to vector<16xf32>
          %swap3A_412 = arith.index_cast %scan3A_103 : i32 to index
          %swap3A_413 = arith.constant 544 : index
          %swap3A_414 = tpu.vector_load %arg9[%swap3A_412, %swap3A_413] {strides = array<i32>} : memref<32x768xf32, #tpu.memory_space<vmem>>, vector<1x16xf32>,
          %swap3A_415 = vector.shape_cast %swap3A_414 : vector<1x16xf32> to vector<16xf32>
          %swap3A_416 = vector.shape_cast %get3A_411 : vector<16xf32> to vector<1x16xf32>
          tpu.vector_store %arg9[%swap3A_412, %swap3A_413], %swap3A_416 {add = true, strides = array<i32>} : memref<32x768xf32, #tpu.memory_space<vmem>>, vector<1x16xf32>,
          %get3A_417 = arith.index_cast %scan3A_103 : i32 to index
          %get3A_418 = arith.constant 560 : index
          %get3A_419 = tpu.vector_load %arg10[%get3A_417, %get3A_418] {strides = array<i32>} : memref<32x768xf32, #tpu.memory_space<vmem>>, vector<1x16xf32>,
          %get3A_420 = vector.shape_cast %get3A_419 : vector<1x16xf32> to vector<16xf32>
          %swap3A_421 = arith.index_cast %scan3A_103 : i32 to index
          %swap3A_422 = arith.constant 560 : index
          %swap3A_423 = tpu.vector_load %arg9[%swap3A_421, %swap3A_422] {strides = array<i32>} : memref<32x768xf32, #tpu.memory_space<vmem>>, vector<1x16xf32>,
          %swap3A_424 = vector.shape_cast %swap3A_423 : vector<1x16xf32> to vector<16xf32>
          %swap3A_425 = vector.shape_cast %get3A_420 : vector<16xf32> to vector<1x16xf32>
          tpu.vector_store %arg9[%swap3A_421, %swap3A_422], %swap3A_425 {add = true, strides = array<i32>} : memref<32x768xf32, #tpu.memory_space<vmem>>, vector<1x16xf32>,
          %get3A_426 = arith.index_cast %scan3A_103 : i32 to index
          %get3A_427 = arith.constant 576 : index
          %get3A_428 = tpu.vector_load %arg10[%get3A_426, %get3A_427] {strides = array<i32>} : memref<32x768xf32, #tpu.memory_space<vmem>>, vector<1x16xf32>,
          %get3A_429 = vector.shape_cast %get3A_428 : vector<1x16xf32> to vector<16xf32>
          %swap3A_430 = arith.index_cast %scan3A_103 : i32 to index
          %swap3A_431 = arith.constant 576 : index
          %swap3A_432 = tpu.vector_load %arg9[%swap3A_430, %swap3A_431] {strides = array<i32>} : memref<32x768xf32, #tpu.memory_space<vmem>>, vector<1x16xf32>,
          %swap3A_433 = vector.shape_cast %swap3A_432 : vector<1x16xf32> to vector<16xf32>
          %swap3A_434 = vector.shape_cast %get3A_429 : vector<16xf32> to vector<1x16xf32>
          tpu.vector_store %arg9[%swap3A_430, %swap3A_431], %swap3A_434 {add = true, strides = array<i32>} : memref<32x768xf32, #tpu.memory_space<vmem>>, vector<1x16xf32>,
          %get3A_435 = arith.index_cast %scan3A_103 : i32 to index
          %get3A_436 = arith.constant 592 : index
          %get3A_437 = tpu.vector_load %arg10[%get3A_435, %get3A_436] {strides = array<i32>} : memref<32x768xf32, #tpu.memory_space<vmem>>, vector<1x16xf32>,
          %get3A_438 = vector.shape_cast %get3A_437 : vector<1x16xf32> to vector<16xf32>
          %swap3A_439 = arith.index_cast %scan3A_103 : i32 to index
          %swap3A_440 = arith.constant 592 : index
          %swap3A_441 = tpu.vector_load %arg9[%swap3A_439, %swap3A_440] {strides = array<i32>} : memref<32x768xf32, #tpu.memory_space<vmem>>, vector<1x16xf32>,
          %swap3A_442 = vector.shape_cast %swap3A_441 : vector<1x16xf32> to vector<16xf32>
          %swap3A_443 = vector.shape_cast %get3A_438 : vector<16xf32> to vector<1x16xf32>
          tpu.vector_store %arg9[%swap3A_439, %swap3A_440], %swap3A_443 {add = true, strides = array<i32>} : memref<32x768xf32, #tpu.memory_space<vmem>>, vector<1x16xf32>,
          %get3A_444 = arith.index_cast %scan3A_103 : i32 to index
          %get3A_445 = arith.constant 608 : index
          %get3A_446 = tpu.vector_load %arg10[%get3A_444, %get3A_445] {strides = array<i32>} : memref<32x768xf32, #tpu.memory_space<vmem>>, vector<1x16xf32>,
          %get3A_447 = vector.shape_cast %get3A_446 : vector<1x16xf32> to vector<16xf32>
          %swap3A_448 = arith.index_cast %scan3A_103 : i32 to index
          %swap3A_449 = arith.constant 608 : index
          %swap3A_450 = tpu.vector_load %arg9[%swap3A_448, %swap3A_449] {strides = array<i32>} : memref<32x768xf32, #tpu.memory_space<vmem>>, vector<1x16xf32>,
          %swap3A_451 = vector.shape_cast %swap3A_450 : vector<1x16xf32> to vector<16xf32>
          %swap3A_452 = vector.shape_cast %get3A_447 : vector<16xf32> to vector<1x16xf32>
          tpu.vector_store %arg9[%swap3A_448, %swap3A_449], %swap3A_452 {add = true, strides = array<i32>} : memref<32x768xf32, #tpu.memory_space<vmem>>, vector<1x16xf32>,
          %get3A_453 = arith.index_cast %scan3A_103 : i32 to index
          %get3A_454 = arith.constant 624 : index
          %get3A_455 = tpu.vector_load %arg10[%get3A_453, %get3A_454] {strides = array<i32>} : memref<32x768xf32, #tpu.memory_space<vmem>>, vector<1x16xf32>,
          %get3A_456 = vector.shape_cast %get3A_455 : vector<1x16xf32> to vector<16xf32>
          %swap3A_457 = arith.index_cast %scan3A_103 : i32 to index
          %swap3A_458 = arith.constant 624 : index
          %swap3A_459 = tpu.vector_load %arg9[%swap3A_457, %swap3A_458] {strides = array<i32>} : memref<32x768xf32, #tpu.memory_space<vmem>>, vector<1x16xf32>,
          %swap3A_460 = vector.shape_cast %swap3A_459 : vector<1x16xf32> to vector<16xf32>
          %swap3A_461 = vector.shape_cast %get3A_456 : vector<16xf32> to vector<1x16xf32>
          tpu.vector_store %arg9[%swap3A_457, %swap3A_458], %swap3A_461 {add = true, strides = array<i32>} : memref<32x768xf32, #tpu.memory_space<vmem>>, vector<1x16xf32>,
          %get3A_462 = arith.index_cast %scan3A_103 : i32 to index
          %get3A_463 = arith.constant 640 : index
          %get3A_464 = tpu.vector_load %arg10[%get3A_462, %get3A_463] {strides = array<i32>} : memref<32x768xf32, #tpu.memory_space<vmem>>, vector<1x16xf32>,
          %get3A_465 = vector.shape_cast %get3A_464 : vector<1x16xf32> to vector<16xf32>
          %swap3A_466 = arith.index_cast %scan3A_103 : i32 to index
          %swap3A_467 = arith.constant 640 : index
          %swap3A_468 = tpu.vector_load %arg9[%swap3A_466, %swap3A_467] {strides = array<i32>} : memref<32x768xf32, #tpu.memory_space<vmem>>, vector<1x16xf32>,
          %swap3A_469 = vector.shape_cast %swap3A_468 : vector<1x16xf32> to vector<16xf32>
          %swap3A_470 = vector.shape_cast %get3A_465 : vector<16xf32> to vector<1x16xf32>
          tpu.vector_store %arg9[%swap3A_466, %swap3A_467], %swap3A_470 {add = true, strides = array<i32>} : memref<32x768xf32, #tpu.memory_space<vmem>>, vector<1x16xf32>,
          %get3A_471 = arith.index_cast %scan3A_103 : i32 to index
          %get3A_472 = arith.constant 656 : index
          %get3A_473 = tpu.vector_load %arg10[%get3A_471, %get3A_472] {strides = array<i32>} : memref<32x768xf32, #tpu.memory_space<vmem>>, vector<1x16xf32>,
          %get3A_474 = vector.shape_cast %get3A_473 : vector<1x16xf32> to vector<16xf32>
          %swap3A_475 = arith.index_cast %scan3A_103 : i32 to index
          %swap3A_476 = arith.constant 656 : index
          %swap3A_477 = tpu.vector_load %arg9[%swap3A_475, %swap3A_476] {strides = array<i32>} : memref<32x768xf32, #tpu.memory_space<vmem>>, vector<1x16xf32>,
          %swap3A_478 = vector.shape_cast %swap3A_477 : vector<1x16xf32> to vector<16xf32>
          %swap3A_479 = vector.shape_cast %get3A_474 : vector<16xf32> to vector<1x16xf32>
          tpu.vector_store %arg9[%swap3A_475, %swap3A_476], %swap3A_479 {add = true, strides = array<i32>} : memref<32x768xf32, #tpu.memory_space<vmem>>, vector<1x16xf32>,
          %get3A_480 = arith.index_cast %scan3A_103 : i32 to index
          %get3A_481 = arith.constant 672 : index
          %get3A_482 = tpu.vector_load %arg10[%get3A_480, %get3A_481] {strides = array<i32>} : memref<32x768xf32, #tpu.memory_space<vmem>>, vector<1x16xf32>,
          %get3A_483 = vector.shape_cast %get3A_482 : vector<1x16xf32> to vector<16xf32>
          %swap3A_484 = arith.index_cast %scan3A_103 : i32 to index
          %swap3A_485 = arith.constant 672 : index
          %swap3A_486 = tpu.vector_load %arg9[%swap3A_484, %swap3A_485] {strides = array<i32>} : memref<32x768xf32, #tpu.memory_space<vmem>>, vector<1x16xf32>,
          %swap3A_487 = vector.shape_cast %swap3A_486 : vector<1x16xf32> to vector<16xf32>
          %swap3A_488 = vector.shape_cast %get3A_483 : vector<16xf32> to vector<1x16xf32>
          tpu.vector_store %arg9[%swap3A_484, %swap3A_485], %swap3A_488 {add = true, strides = array<i32>} : memref<32x768xf32, #tpu.memory_space<vmem>>, vector<1x16xf32>,
          %get3A_489 = arith.index_cast %scan3A_103 : i32 to index
          %get3A_490 = arith.constant 688 : index
          %get3A_491 = tpu.vector_load %arg10[%get3A_489, %get3A_490] {strides = array<i32>} : memref<32x768xf32, #tpu.memory_space<vmem>>, vector<1x16xf32>,
          %get3A_492 = vector.shape_cast %get3A_491 : vector<1x16xf32> to vector<16xf32>
          %swap3A_493 = arith.index_cast %scan3A_103 : i32 to index
          %swap3A_494 = arith.constant 688 : index
          %swap3A_495 = tpu.vector_load %arg9[%swap3A_493, %swap3A_494] {strides = array<i32>} : memref<32x768xf32, #tpu.memory_space<vmem>>, vector<1x16xf32>,
          %swap3A_496 = vector.shape_cast %swap3A_495 : vector<1x16xf32> to vector<16xf32>
          %swap3A_497 = vector.shape_cast %get3A_492 : vector<16xf32> to vector<1x16xf32>
          tpu.vector_store %arg9[%swap3A_493, %swap3A_494], %swap3A_497 {add = true, strides = array<i32>} : memref<32x768xf32, #tpu.memory_space<vmem>>, vector<1x16xf32>,
          %get3A_498 = arith.index_cast %scan3A_103 : i32 to index
          %get3A_499 = arith.constant 704 : index
          %get3A_500 = tpu.vector_load %arg10[%get3A_498, %get3A_499] {strides = array<i32>} : memref<32x768xf32, #tpu.memory_space<vmem>>, vector<1x16xf32>,
          %get3A_501 = vector.shape_cast %get3A_500 : vector<1x16xf32> to vector<16xf32>
          %swap3A_502 = arith.index_cast %scan3A_103 : i32 to index
          %swap3A_503 = arith.constant 704 : index
          %swap3A_504 = tpu.vector_load %arg9[%swap3A_502, %swap3A_503] {strides = array<i32>} : memref<32x768xf32, #tpu.memory_space<vmem>>, vector<1x16xf32>,
          %swap3A_505 = vector.shape_cast %swap3A_504 : vector<1x16xf32> to vector<16xf32>
          %swap3A_506 = vector.shape_cast %get3A_501 : vector<16xf32> to vector<1x16xf32>
          tpu.vector_store %arg9[%swap3A_502, %swap3A_503], %swap3A_506 {add = true, strides = array<i32>} : memref<32x768xf32, #tpu.memory_space<vmem>>, vector<1x16xf32>,
          %get3A_507 = arith.index_cast %scan3A_103 : i32 to index
          %get3A_508 = arith.constant 720 : index
          %get3A_509 = tpu.vector_load %arg10[%get3A_507, %get3A_508] {strides = array<i32>} : memref<32x768xf32, #tpu.memory_space<vmem>>, vector<1x16xf32>,
          %get3A_510 = vector.shape_cast %get3A_509 : vector<1x16xf32> to vector<16xf32>
          %swap3A_511 = arith.index_cast %scan3A_103 : i32 to index
          %swap3A_512 = arith.constant 720 : index
          %swap3A_513 = tpu.vector_load %arg9[%swap3A_511, %swap3A_512] {strides = array<i32>} : memref<32x768xf32, #tpu.memory_space<vmem>>, vector<1x16xf32>,
          %swap3A_514 = vector.shape_cast %swap3A_513 : vector<1x16xf32> to vector<16xf32>
          %swap3A_515 = vector.shape_cast %get3A_510 : vector<16xf32> to vector<1x16xf32>
          tpu.vector_store %arg9[%swap3A_511, %swap3A_512], %swap3A_515 {add = true, strides = array<i32>} : memref<32x768xf32, #tpu.memory_space<vmem>>, vector<1x16xf32>,
          %get3A_516 = arith.index_cast %scan3A_103 : i32 to index
          %get3A_517 = arith.constant 736 : index
          %get3A_518 = tpu.vector_load %arg10[%get3A_516, %get3A_517] {strides = array<i32>} : memref<32x768xf32, #tpu.memory_space<vmem>>, vector<1x16xf32>,
          %get3A_519 = vector.shape_cast %get3A_518 : vector<1x16xf32> to vector<16xf32>
          %swap3A_520 = arith.index_cast %scan3A_103 : i32 to index
          %swap3A_521 = arith.constant 736 : index
          %swap3A_522 = tpu.vector_load %arg9[%swap3A_520, %swap3A_521] {strides = array<i32>} : memref<32x768xf32, #tpu.memory_space<vmem>>, vector<1x16xf32>,
          %swap3A_523 = vector.shape_cast %swap3A_522 : vector<1x16xf32> to vector<16xf32>
          %swap3A_524 = vector.shape_cast %get3A_519 : vector<16xf32> to vector<1x16xf32>
          tpu.vector_store %arg9[%swap3A_520, %swap3A_521], %swap3A_524 {add = true, strides = array<i32>} : memref<32x768xf32, #tpu.memory_space<vmem>>, vector<1x16xf32>,
          %get3A_525 = arith.index_cast %scan3A_103 : i32 to index
          %get3A_526 = arith.constant 752 : index
          %get3A_527 = tpu.vector_load %arg10[%get3A_525, %get3A_526] {strides = array<i32>} : memref<32x768xf32, #tpu.memory_space<vmem>>, vector<1x16xf32>,
          %get3A_528 = vector.shape_cast %get3A_527 : vector<1x16xf32> to vector<16xf32>
          %swap3A_529 = arith.index_cast %scan3A_103 : i32 to index
          %swap3A_530 = arith.constant 752 : index
          %swap3A_531 = tpu.vector_load %arg9[%swap3A_529, %swap3A_530] {strides = array<i32>} : memref<32x768xf32, #tpu.memory_space<vmem>>, vector<1x16xf32>,
          %swap3A_532 = vector.shape_cast %swap3A_531 : vector<1x16xf32> to vector<16xf32>
          %swap3A_533 = vector.shape_cast %get3A_528 : vector<16xf32> to vector<1x16xf32>
          tpu.vector_store %arg9[%swap3A_529, %swap3A_530], %swap3A_533 {add = true, strides = array<i32>} : memref<32x768xf32, #tpu.memory_space<vmem>>, vector<1x16xf32>,
        }
        %scan3A_95 = arith.constant 32 : i32
        %mul3A_96 = arith.constant 32 : i32
        %mul3A_97 = arith.muli %scan3A_36, %mul3A_96 : i32
        %add3A_98 = arith.addi %mul3A_2, %mul3A_97 : i32
        %dma_start3A_99 = arith.constant 0 : i32
        %dma_start3A_100 = tpu.memref_slice %arg6[%add3A_98, %dma_start3A_99] : memref<78848x768xf32, #tpu.memory_space<hbm>> -> memref<32x768xf32, #tpu.memory_space<hbm>>
        %dma_start3A_101 = arith.constant 0 : i32
        %dma_start3A_102 = tpu.memref_slice %arg6[%add3A_98, %dma_start3A_101] : memref<78848x768xf32, #tpu.memory_space<hbm>> -> memref<32x768xf32, #tpu.memory_space<hbm>>
        tpu.enqueue_dma source(%arg9 : memref<32x768xf32, #tpu.memory_space<vmem>>) target(%dma_start3A_102 : memref<32x768xf32, #tpu.memory_space<hbm>>) target_semaphore(%arg12 : memref<!tpu.dma_semaphore, #tpu.memory_space<semaphore_mem>>)
      } else {
      }
      %jit3A_49 = arith.constant 2 : i32
      %eq3A_50 = arith.constant 0 : i32
      %eq3A_51 = arith.cmpi eq, %jit3A_49, %eq3A_50 : i32
      %jit3A_52 = arith.constant 1 : i32
      %select_n3A_53 = arith.select %eq3A_51, %jit3A_52, %jit3A_49 : i32
      %rem3A_54 = arith.remsi %scan3A_36, %select_n3A_53 : i32
      %ne3A_55 = arith.constant 0 : i32
      %ne3A_56 = arith.cmpi ne, %rem3A_54, %ne3A_55 : i32
      %lt3A_57 = arith.constant 0 : i32
      %lt3A_58 = arith.cmpi slt, %rem3A_54, %lt3A_57 : i32
      %lt3A_59 = arith.constant 0 : i32
      %lt3A_60 = arith.cmpi slt, %select_n3A_53, %lt3A_59 : i32
      %ne3A_61 = arith.xori %lt3A_58, %lt3A_60 : i1
      %and3A_62 = arith.andi %ne3A_61, %ne3A_56 : i1
      %add3A_63 = arith.addi %rem3A_54, %select_n3A_53 : i32
      %select_n3A_64 = arith.select %and3A_62, %add3A_63, %rem3A_54 : i32
      %eq3A_65 = arith.constant 1 : i32
      %eq3A_66 = arith.cmpi eq, %select_n3A_64, %eq3A_65 : i32
      %convert_element_type3A_67 = arith.extui %eq3A_66 : i1 to i32
      %cond3A_68 = arith.constant 0 : i32
      %cond3A_69 = arith.cmpi ne, %convert_element_type3A_67, %cond3A_68 : i32
      scf.if %cond3A_69 {
        %add3A_70 = arith.constant 2 : i32
        %add3A_71 = arith.addi %scan3A_36, %add3A_70 : i32
        %sub3A = arith.constant 1 : i32
        %sub3A_72 = arith.subi %add3A_71, %sub3A : i32
        %lt3A_73 = arith.constant 77 : i32
        %lt3A_74 = arith.cmpi slt, %sub3A_72, %lt3A_73 : i32
        %convert_element_type3A_75 = arith.extui %lt3A_74 : i1 to i32
        %cond3A_76 = arith.constant 0 : i32
        %cond3A_77 = arith.cmpi ne, %convert_element_type3A_75, %cond3A_76 : i32
        scf.if %cond3A_77 {
          %ge3A = arith.constant 1 : i32
          %ge3A_103 = arith.cmpi sge, %scan3A_36, %ge3A : i32
          %convert_element_type3A_104 = arith.extui %ge3A_103 : i1 to i32
          %cond3A_105 = arith.constant 0 : i32
          %cond3A_106 = arith.cmpi ne, %convert_element_type3A_104, %cond3A_105 : i32
          scf.if %cond3A_106 {
            %dma_wait3A_121 = arith.constant 0 : i32
            %dma_wait3A_122 = arith.constant 0 : i32
            %dma_wait3A_123 = tpu.memref_slice %arg6[%dma_wait3A_121, %dma_wait3A_122] : memref<78848x768xf32, #tpu.memory_space<hbm>> -> memref<32x768xf32, #tpu.memory_space<hbm>>
            %dma_wait3A_124 = arith.constant 0 : i32
            %dma_wait3A_125 = arith.constant 0 : i32
            %dma_wait3A_126 = tpu.memref_slice %arg6[%dma_wait3A_124, %dma_wait3A_125] : memref<78848x768xf32, #tpu.memory_space<hbm>> -> memref<32x768xf32, #tpu.memory_space<hbm>>
            tpu.wait_dma2 semaphore(%arg12 : memref<!tpu.dma_semaphore, #tpu.memory_space<semaphore_mem>>) src(%arg9 : memref<32x768xf32, #tpu.memory_space<vmem>>) dst(%dma_wait3A_126 : memref<32x768xf32, #tpu.memory_space<hbm>>)
          } else {
          }
          %add3A_107 = arith.constant 2 : i32
          %add3A_108 = arith.addi %scan3A_36, %add3A_107 : i32
          %sub3A_109 = arith.constant 1 : i32
          %sub3A_110 = arith.subi %add3A_108, %sub3A_109 : i32
          %mul3A_111 = arith.constant 32 : i32
          %mul3A_112 = arith.muli %sub3A_110, %mul3A_111 : i32
          %dma_start3A_113 = tpu.memref_slice %arg7[%mul3A_112] : memref<2464xi32, #tpu.memory_space<vmem>> -> memref<32xi32, #tpu.memory_space<vmem>>
          %dma_start3A_114 = arith.constant 0 : i32
          %dma_start3A_115 = arith.constant 0 : i32
          %dma_start3A_116 = tpu.memref_slice %arg4[%dma_start3A_114, %dma_start3A_115] : memref<49408x768xf32, #tpu.memory_space<hbm>> -> memref<49408x768xf32, #tpu.memory_space<hbm>>
          tpu.enqueue_indirect_dma source(%dma_start3A_116 : memref<49408x768xf32, #tpu.memory_space<hbm>>) target(%arg9 : memref<32x768xf32, #tpu.memory_space<vmem>>) offsets(%dma_start3A_113 : memref<32xi32, #tpu.memory_space<vmem>>) semaphore(%arg11 : memref<!tpu.dma_semaphore, #tpu.memory_space<semaphore_mem>>)
          %dma_start3A_117 = tpu.memref_slice %arg8[%mul3A_112] : memref<2464xi32, #tpu.memory_space<vmem>> -> memref<32xi32, #tpu.memory_space<vmem>>
          %dma_start3A_118 = arith.constant 0 : i32
          %dma_start3A_119 = arith.constant 0 : i32
          %dma_start3A_120 = tpu.memref_slice %arg5[%dma_start3A_118, %dma_start3A_119] : memref<2464x768xf32, #tpu.memory_space<hbm>> -> memref<2464x768xf32, #tpu.memory_space<hbm>>
          tpu.enqueue_indirect_dma source(%dma_start3A_120 : memref<2464x768xf32, #tpu.memory_space<hbm>>) target(%arg10 : memref<32x768xf32, #tpu.memory_space<vmem>>) offsets(%dma_start3A_117 : memref<32xi32, #tpu.memory_space<vmem>>) semaphore(%arg11 : memref<!tpu.dma_semaphore, #tpu.memory_space<semaphore_mem>>)
        } else {
        }
        %dma_wait3A_78 = arith.constant 0 : i32
        %dma_wait3A_79 = arith.constant 0 : i32
        %dma_wait3A_80 = tpu.memref_slice %arg4[%dma_wait3A_78, %dma_wait3A_79] : memref<49408x768xf32, #tpu.memory_space<hbm>> -> memref<32x768xf32, #tpu.memory_space<hbm>>
        %dma_wait3A_81 = arith.constant 0 : i32
        %dma_wait3A_82 = arith.constant 0 : i32
        %dma_wait3A_83 = tpu.memref_slice %arg4[%dma_wait3A_81, %dma_wait3A_82] : memref<49408x768xf32, #tpu.memory_space<hbm>> -> memref<32x768xf32, #tpu.memory_space<hbm>>
        tpu.wait_dma2 semaphore(%arg15 : memref<!tpu.dma_semaphore, #tpu.memory_space<semaphore_mem>>) src(%dma_wait3A_83 : memref<32x768xf32, #tpu.memory_space<hbm>>) dst(%arg13 : memref<32x768xf32, #tpu.memory_space<vmem>>)
        %dma_wait3A_84 = arith.constant 0 : i32
        %dma_wait3A_85 = arith.constant 0 : i32
        %dma_wait3A_86 = tpu.memref_slice %arg5[%dma_wait3A_84, %dma_wait3A_85] : memref<2464x768xf32, #tpu.memory_space<hbm>> -> memref<32x768xf32, #tpu.memory_space<hbm>>
        %dma_wait3A_87 = arith.constant 0 : i32
        %dma_wait3A_88 = arith.constant 0 : i32
        %dma_wait3A_89 = tpu.memref_slice %arg5[%dma_wait3A_87, %dma_wait3A_88] : memref<2464x768xf32, #tpu.memory_space<hbm>> -> memref<32x768xf32, #tpu.memory_space<hbm>>
        tpu.wait_dma2 semaphore(%arg15 : memref<!tpu.dma_semaphore, #tpu.memory_space<semaphore_mem>>) src(%dma_wait3A_89 : memref<32x768xf32, #tpu.memory_space<hbm>>) dst(%arg14 : memref<32x768xf32, #tpu.memory_space<vmem>>)
        %scan3A_90 = arith.constant 0 : i32
        %scan3A_91 = arith.constant 0 : i32
        %scan3A_92 = arith.constant 32 : i32
        %scan3A_93 = arith.addi %scan3A_91, %scan3A_92 : i32
        %scan3A_94 = arith.constant 1 : i32
        scf.for %scan3A_103 = %scan3A_91 to %scan3A_93 step %scan3A_94  : i32 {
          %get3A = arith.index_cast %scan3A_103 : i32 to index
          %get3A_104 = arith.constant 0 : index
          %get3A_105 = tpu.vector_load %arg14[%get3A, %get3A_104] {strides = array<i32>} : memref<32x768xf32, #tpu.memory_space<vmem>>, vector<1x16xf32>,
          %get3A_106 = vector.shape_cast %get3A_105 : vector<1x16xf32> to vector<16xf32>
          %swap3A = arith.index_cast %scan3A_103 : i32 to index
          %swap3A_107 = arith.constant 0 : index
          %swap3A_108 = tpu.vector_load %arg13[%swap3A, %swap3A_107] {strides = array<i32>} : memref<32x768xf32, #tpu.memory_space<vmem>>, vector<1x16xf32>,
          %swap3A_109 = vector.shape_cast %swap3A_108 : vector<1x16xf32> to vector<16xf32>
          %swap3A_110 = vector.shape_cast %get3A_106 : vector<16xf32> to vector<1x16xf32>
          tpu.vector_store %arg13[%swap3A, %swap3A_107], %swap3A_110 {add = true, strides = array<i32>} : memref<32x768xf32, #tpu.memory_space<vmem>>, vector<1x16xf32>,
          %get3A_111 = arith.index_cast %scan3A_103 : i32 to index
          %get3A_112 = arith.constant 16 : index
          %get3A_113 = tpu.vector_load %arg14[%get3A_111, %get3A_112] {strides = array<i32>} : memref<32x768xf32, #tpu.memory_space<vmem>>, vector<1x16xf32>,
          %get3A_114 = vector.shape_cast %get3A_113 : vector<1x16xf32> to vector<16xf32>
          %swap3A_115 = arith.index_cast %scan3A_103 : i32 to index
          %swap3A_116 = arith.constant 16 : index
          %swap3A_117 = tpu.vector_load %arg13[%swap3A_115, %swap3A_116] {strides = array<i32>} : memref<32x768xf32, #tpu.memory_space<vmem>>, vector<1x16xf32>,
          %swap3A_118 = vector.shape_cast %swap3A_117 : vector<1x16xf32> to vector<16xf32>
          %swap3A_119 = vector.shape_cast %get3A_114 : vector<16xf32> to vector<1x16xf32>
          tpu.vector_store %arg13[%swap3A_115, %swap3A_116], %swap3A_119 {add = true, strides = array<i32>} : memref<32x768xf32, #tpu.memory_space<vmem>>, vector<1x16xf32>,
          %get3A_120 = arith.index_cast %scan3A_103 : i32 to index
          %get3A_121 = arith.constant 32 : index
          %get3A_122 = tpu.vector_load %arg14[%get3A_120, %get3A_121] {strides = array<i32>} : memref<32x768xf32, #tpu.memory_space<vmem>>, vector<1x16xf32>,
          %get3A_123 = vector.shape_cast %get3A_122 : vector<1x16xf32> to vector<16xf32>
          %swap3A_124 = arith.index_cast %scan3A_103 : i32 to index
          %swap3A_125 = arith.constant 32 : index
          %swap3A_126 = tpu.vector_load %arg13[%swap3A_124, %swap3A_125] {strides = array<i32>} : memref<32x768xf32, #tpu.memory_space<vmem>>, vector<1x16xf32>,
          %swap3A_127 = vector.shape_cast %swap3A_126 : vector<1x16xf32> to vector<16xf32>
          %swap3A_128 = vector.shape_cast %get3A_123 : vector<16xf32> to vector<1x16xf32>
          tpu.vector_store %arg13[%swap3A_124, %swap3A_125], %swap3A_128 {add = true, strides = array<i32>} : memref<32x768xf32, #tpu.memory_space<vmem>>, vector<1x16xf32>,
          %get3A_129 = arith.index_cast %scan3A_103 : i32 to index
          %get3A_130 = arith.constant 48 : index
          %get3A_131 = tpu.vector_load %arg14[%get3A_129, %get3A_130] {strides = array<i32>} : memref<32x768xf32, #tpu.memory_space<vmem>>, vector<1x16xf32>,
          %get3A_132 = vector.shape_cast %get3A_131 : vector<1x16xf32> to vector<16xf32>
          %swap3A_133 = arith.index_cast %scan3A_103 : i32 to index
          %swap3A_134 = arith.constant 48 : index
          %swap3A_135 = tpu.vector_load %arg13[%swap3A_133, %swap3A_134] {strides = array<i32>} : memref<32x768xf32, #tpu.memory_space<vmem>>, vector<1x16xf32>,
          %swap3A_136 = vector.shape_cast %swap3A_135 : vector<1x16xf32> to vector<16xf32>
          %swap3A_137 = vector.shape_cast %get3A_132 : vector<16xf32> to vector<1x16xf32>
          tpu.vector_store %arg13[%swap3A_133, %swap3A_134], %swap3A_137 {add = true, strides = array<i32>} : memref<32x768xf32, #tpu.memory_space<vmem>>, vector<1x16xf32>,
          %get3A_138 = arith.index_cast %scan3A_103 : i32 to index
          %get3A_139 = arith.constant 64 : index
          %get3A_140 = tpu.vector_load %arg14[%get3A_138, %get3A_139] {strides = array<i32>} : memref<32x768xf32, #tpu.memory_space<vmem>>, vector<1x16xf32>,
          %get3A_141 = vector.shape_cast %get3A_140 : vector<1x16xf32> to vector<16xf32>
          %swap3A_142 = arith.index_cast %scan3A_103 : i32 to index
          %swap3A_143 = arith.constant 64 : index
          %swap3A_144 = tpu.vector_load %arg13[%swap3A_142, %swap3A_143] {strides = array<i32>} : memref<32x768xf32, #tpu.memory_space<vmem>>, vector<1x16xf32>,
          %swap3A_145 = vector.shape_cast %swap3A_144 : vector<1x16xf32> to vector<16xf32>
          %swap3A_146 = vector.shape_cast %get3A_141 : vector<16xf32> to vector<1x16xf32>
          tpu.vector_store %arg13[%swap3A_142, %swap3A_143], %swap3A_146 {add = true, strides = array<i32>} : memref<32x768xf32, #tpu.memory_space<vmem>>, vector<1x16xf32>,
          %get3A_147 = arith.index_cast %scan3A_103 : i32 to index
          %get3A_148 = arith.constant 80 : index
          %get3A_149 = tpu.vector_load %arg14[%get3A_147, %get3A_148] {strides = array<i32>} : memref<32x768xf32, #tpu.memory_space<vmem>>, vector<1x16xf32>,
          %get3A_150 = vector.shape_cast %get3A_149 : vector<1x16xf32> to vector<16xf32>
          %swap3A_151 = arith.index_cast %scan3A_103 : i32 to index
          %swap3A_152 = arith.constant 80 : index
          %swap3A_153 = tpu.vector_load %arg13[%swap3A_151, %swap3A_152] {strides = array<i32>} : memref<32x768xf32, #tpu.memory_space<vmem>>, vector<1x16xf32>,
          %swap3A_154 = vector.shape_cast %swap3A_153 : vector<1x16xf32> to vector<16xf32>
          %swap3A_155 = vector.shape_cast %get3A_150 : vector<16xf32> to vector<1x16xf32>
          tpu.vector_store %arg13[%swap3A_151, %swap3A_152], %swap3A_155 {add = true, strides = array<i32>} : memref<32x768xf32, #tpu.memory_space<vmem>>, vector<1x16xf32>,
          %get3A_156 = arith.index_cast %scan3A_103 : i32 to index
          %get3A_157 = arith.constant 96 : index
          %get3A_158 = tpu.vector_load %arg14[%get3A_156, %get3A_157] {strides = array<i32>} : memref<32x768xf32, #tpu.memory_space<vmem>>, vector<1x16xf32>,
          %get3A_159 = vector.shape_cast %get3A_158 : vector<1x16xf32> to vector<16xf32>
          %swap3A_160 = arith.index_cast %scan3A_103 : i32 to index
          %swap3A_161 = arith.constant 96 : index
          %swap3A_162 = tpu.vector_load %arg13[%swap3A_160, %swap3A_161] {strides = array<i32>} : memref<32x768xf32, #tpu.memory_space<vmem>>, vector<1x16xf32>,
          %swap3A_163 = vector.shape_cast %swap3A_162 : vector<1x16xf32> to vector<16xf32>
          %swap3A_164 = vector.shape_cast %get3A_159 : vector<16xf32> to vector<1x16xf32>
          tpu.vector_store %arg13[%swap3A_160, %swap3A_161], %swap3A_164 {add = true, strides = array<i32>} : memref<32x768xf32, #tpu.memory_space<vmem>>, vector<1x16xf32>,
          %get3A_165 = arith.index_cast %scan3A_103 : i32 to index
          %get3A_166 = arith.constant 112 : index
          %get3A_167 = tpu.vector_load %arg14[%get3A_165, %get3A_166] {strides = array<i32>} : memref<32x768xf32, #tpu.memory_space<vmem>>, vector<1x16xf32>,
          %get3A_168 = vector.shape_cast %get3A_167 : vector<1x16xf32> to vector<16xf32>
          %swap3A_169 = arith.index_cast %scan3A_103 : i32 to index
          %swap3A_170 = arith.constant 112 : index
          %swap3A_171 = tpu.vector_load %arg13[%swap3A_169, %swap3A_170] {strides = array<i32>} : memref<32x768xf32, #tpu.memory_space<vmem>>, vector<1x16xf32>,
          %swap3A_172 = vector.shape_cast %swap3A_171 : vector<1x16xf32> to vector<16xf32>
          %swap3A_173 = vector.shape_cast %get3A_168 : vector<16xf32> to vector<1x16xf32>
          tpu.vector_store %arg13[%swap3A_169, %swap3A_170], %swap3A_173 {add = true, strides = array<i32>} : memref<32x768xf32, #tpu.memory_space<vmem>>, vector<1x16xf32>,
          %get3A_174 = arith.index_cast %scan3A_103 : i32 to index
          %get3A_175 = arith.constant 128 : index
          %get3A_176 = tpu.vector_load %arg14[%get3A_174, %get3A_175] {strides = array<i32>} : memref<32x768xf32, #tpu.memory_space<vmem>>, vector<1x16xf32>,
          %get3A_177 = vector.shape_cast %get3A_176 : vector<1x16xf32> to vector<16xf32>
          %swap3A_178 = arith.index_cast %scan3A_103 : i32 to index
          %swap3A_179 = arith.constant 128 : index
          %swap3A_180 = tpu.vector_load %arg13[%swap3A_178, %swap3A_179] {strides = array<i32>} : memref<32x768xf32, #tpu.memory_space<vmem>>, vector<1x16xf32>,
          %swap3A_181 = vector.shape_cast %swap3A_180 : vector<1x16xf32> to vector<16xf32>
          %swap3A_182 = vector.shape_cast %get3A_177 : vector<16xf32> to vector<1x16xf32>
          tpu.vector_store %arg13[%swap3A_178, %swap3A_179], %swap3A_182 {add = true, strides = array<i32>} : memref<32x768xf32, #tpu.memory_space<vmem>>, vector<1x16xf32>,
          %get3A_183 = arith.index_cast %scan3A_103 : i32 to index
          %get3A_184 = arith.constant 144 : index
          %get3A_185 = tpu.vector_load %arg14[%get3A_183, %get3A_184] {strides = array<i32>} : memref<32x768xf32, #tpu.memory_space<vmem>>, vector<1x16xf32>,
          %get3A_186 = vector.shape_cast %get3A_185 : vector<1x16xf32> to vector<16xf32>
          %swap3A_187 = arith.index_cast %scan3A_103 : i32 to index
          %swap3A_188 = arith.constant 144 : index
          %swap3A_189 = tpu.vector_load %arg13[%swap3A_187, %swap3A_188] {strides = array<i32>} : memref<32x768xf32, #tpu.memory_space<vmem>>, vector<1x16xf32>,
          %swap3A_190 = vector.shape_cast %swap3A_189 : vector<1x16xf32> to vector<16xf32>
          %swap3A_191 = vector.shape_cast %get3A_186 : vector<16xf32> to vector<1x16xf32>
          tpu.vector_store %arg13[%swap3A_187, %swap3A_188], %swap3A_191 {add = true, strides = array<i32>} : memref<32x768xf32, #tpu.memory_space<vmem>>, vector<1x16xf32>,
          %get3A_192 = arith.index_cast %scan3A_103 : i32 to index
          %get3A_193 = arith.constant 160 : index
          %get3A_194 = tpu.vector_load %arg14[%get3A_192, %get3A_193] {strides = array<i32>} : memref<32x768xf32, #tpu.memory_space<vmem>>, vector<1x16xf32>,
          %get3A_195 = vector.shape_cast %get3A_194 : vector<1x16xf32> to vector<16xf32>
          %swap3A_196 = arith.index_cast %scan3A_103 : i32 to index
          %swap3A_197 = arith.constant 160 : index
          %swap3A_198 = tpu.vector_load %arg13[%swap3A_196, %swap3A_197] {strides = array<i32>} : memref<32x768xf32, #tpu.memory_space<vmem>>, vector<1x16xf32>,
          %swap3A_199 = vector.shape_cast %swap3A_198 : vector<1x16xf32> to vector<16xf32>
          %swap3A_200 = vector.shape_cast %get3A_195 : vector<16xf32> to vector<1x16xf32>
          tpu.vector_store %arg13[%swap3A_196, %swap3A_197], %swap3A_200 {add = true, strides = array<i32>} : memref<32x768xf32, #tpu.memory_space<vmem>>, vector<1x16xf32>,
          %get3A_201 = arith.index_cast %scan3A_103 : i32 to index
          %get3A_202 = arith.constant 176 : index
          %get3A_203 = tpu.vector_load %arg14[%get3A_201, %get3A_202] {strides = array<i32>} : memref<32x768xf32, #tpu.memory_space<vmem>>, vector<1x16xf32>,
          %get3A_204 = vector.shape_cast %get3A_203 : vector<1x16xf32> to vector<16xf32>
          %swap3A_205 = arith.index_cast %scan3A_103 : i32 to index
          %swap3A_206 = arith.constant 176 : index
          %swap3A_207 = tpu.vector_load %arg13[%swap3A_205, %swap3A_206] {strides = array<i32>} : memref<32x768xf32, #tpu.memory_space<vmem>>, vector<1x16xf32>,
          %swap3A_208 = vector.shape_cast %swap3A_207 : vector<1x16xf32> to vector<16xf32>
          %swap3A_209 = vector.shape_cast %get3A_204 : vector<16xf32> to vector<1x16xf32>
          tpu.vector_store %arg13[%swap3A_205, %swap3A_206], %swap3A_209 {add = true, strides = array<i32>} : memref<32x768xf32, #tpu.memory_space<vmem>>, vector<1x16xf32>,
          %get3A_210 = arith.index_cast %scan3A_103 : i32 to index
          %get3A_211 = arith.constant 192 : index
          %get3A_212 = tpu.vector_load %arg14[%get3A_210, %get3A_211] {strides = array<i32>} : memref<32x768xf32, #tpu.memory_space<vmem>>, vector<1x16xf32>,
          %get3A_213 = vector.shape_cast %get3A_212 : vector<1x16xf32> to vector<16xf32>
          %swap3A_214 = arith.index_cast %scan3A_103 : i32 to index
          %swap3A_215 = arith.constant 192 : index
          %swap3A_216 = tpu.vector_load %arg13[%swap3A_214, %swap3A_215] {strides = array<i32>} : memref<32x768xf32, #tpu.memory_space<vmem>>, vector<1x16xf32>,
          %swap3A_217 = vector.shape_cast %swap3A_216 : vector<1x16xf32> to vector<16xf32>
          %swap3A_218 = vector.shape_cast %get3A_213 : vector<16xf32> to vector<1x16xf32>
          tpu.vector_store %arg13[%swap3A_214, %swap3A_215], %swap3A_218 {add = true, strides = array<i32>} : memref<32x768xf32, #tpu.memory_space<vmem>>, vector<1x16xf32>,
          %get3A_219 = arith.index_cast %scan3A_103 : i32 to index
          %get3A_220 = arith.constant 208 : index
          %get3A_221 = tpu.vector_load %arg14[%get3A_219, %get3A_220] {strides = array<i32>} : memref<32x768xf32, #tpu.memory_space<vmem>>, vector<1x16xf32>,
          %get3A_222 = vector.shape_cast %get3A_221 : vector<1x16xf32> to vector<16xf32>
          %swap3A_223 = arith.index_cast %scan3A_103 : i32 to index
          %swap3A_224 = arith.constant 208 : index
          %swap3A_225 = tpu.vector_load %arg13[%swap3A_223, %swap3A_224] {strides = array<i32>} : memref<32x768xf32, #tpu.memory_space<vmem>>, vector<1x16xf32>,
          %swap3A_226 = vector.shape_cast %swap3A_225 : vector<1x16xf32> to vector<16xf32>
          %swap3A_227 = vector.shape_cast %get3A_222 : vector<16xf32> to vector<1x16xf32>
          tpu.vector_store %arg13[%swap3A_223, %swap3A_224], %swap3A_227 {add = true, strides = array<i32>} : memref<32x768xf32, #tpu.memory_space<vmem>>, vector<1x16xf32>,
          %get3A_228 = arith.index_cast %scan3A_103 : i32 to index
          %get3A_229 = arith.constant 224 : index
          %get3A_230 = tpu.vector_load %arg14[%get3A_228, %get3A_229] {strides = array<i32>} : memref<32x768xf32, #tpu.memory_space<vmem>>, vector<1x16xf32>,
          %get3A_231 = vector.shape_cast %get3A_230 : vector<1x16xf32> to vector<16xf32>
          %swap3A_232 = arith.index_cast %scan3A_103 : i32 to index
          %swap3A_233 = arith.constant 224 : index
          %swap3A_234 = tpu.vector_load %arg13[%swap3A_232, %swap3A_233] {strides = array<i32>} : memref<32x768xf32, #tpu.memory_space<vmem>>, vector<1x16xf32>,
          %swap3A_235 = vector.shape_cast %swap3A_234 : vector<1x16xf32> to vector<16xf32>
          %swap3A_236 = vector.shape_cast %get3A_231 : vector<16xf32> to vector<1x16xf32>
          tpu.vector_store %arg13[%swap3A_232, %swap3A_233], %swap3A_236 {add = true, strides = array<i32>} : memref<32x768xf32, #tpu.memory_space<vmem>>, vector<1x16xf32>,
          %get3A_237 = arith.index_cast %scan3A_103 : i32 to index
          %get3A_238 = arith.constant 240 : index
          %get3A_239 = tpu.vector_load %arg14[%get3A_237, %get3A_238] {strides = array<i32>} : memref<32x768xf32, #tpu.memory_space<vmem>>, vector<1x16xf32>,
          %get3A_240 = vector.shape_cast %get3A_239 : vector<1x16xf32> to vector<16xf32>
          %swap3A_241 = arith.index_cast %scan3A_103 : i32 to index
          %swap3A_242 = arith.constant 240 : index
          %swap3A_243 = tpu.vector_load %arg13[%swap3A_241, %swap3A_242] {strides = array<i32>} : memref<32x768xf32, #tpu.memory_space<vmem>>, vector<1x16xf32>,
          %swap3A_244 = vector.shape_cast %swap3A_243 : vector<1x16xf32> to vector<16xf32>
          %swap3A_245 = vector.shape_cast %get3A_240 : vector<16xf32> to vector<1x16xf32>
          tpu.vector_store %arg13[%swap3A_241, %swap3A_242], %swap3A_245 {add = true, strides = array<i32>} : memref<32x768xf32, #tpu.memory_space<vmem>>, vector<1x16xf32>,
          %get3A_246 = arith.index_cast %scan3A_103 : i32 to index
          %get3A_247 = arith.constant 256 : index
          %get3A_248 = tpu.vector_load %arg14[%get3A_246, %get3A_247] {strides = array<i32>} : memref<32x768xf32, #tpu.memory_space<vmem>>, vector<1x16xf32>,
          %get3A_249 = vector.shape_cast %get3A_248 : vector<1x16xf32> to vector<16xf32>
          %swap3A_250 = arith.index_cast %scan3A_103 : i32 to index
          %swap3A_251 = arith.constant 256 : index
          %swap3A_252 = tpu.vector_load %arg13[%swap3A_250, %swap3A_251] {strides = array<i32>} : memref<32x768xf32, #tpu.memory_space<vmem>>, vector<1x16xf32>,
          %swap3A_253 = vector.shape_cast %swap3A_252 : vector<1x16xf32> to vector<16xf32>
          %swap3A_254 = vector.shape_cast %get3A_249 : vector<16xf32> to vector<1x16xf32>
          tpu.vector_store %arg13[%swap3A_250, %swap3A_251], %swap3A_254 {add = true, strides = array<i32>} : memref<32x768xf32, #tpu.memory_space<vmem>>, vector<1x16xf32>,
          %get3A_255 = arith.index_cast %scan3A_103 : i32 to index
          %get3A_256 = arith.constant 272 : index
          %get3A_257 = tpu.vector_load %arg14[%get3A_255, %get3A_256] {strides = array<i32>} : memref<32x768xf32, #tpu.memory_space<vmem>>, vector<1x16xf32>,
          %get3A_258 = vector.shape_cast %get3A_257 : vector<1x16xf32> to vector<16xf32>
          %swap3A_259 = arith.index_cast %scan3A_103 : i32 to index
          %swap3A_260 = arith.constant 272 : index
          %swap3A_261 = tpu.vector_load %arg13[%swap3A_259, %swap3A_260] {strides = array<i32>} : memref<32x768xf32, #tpu.memory_space<vmem>>, vector<1x16xf32>,
          %swap3A_262 = vector.shape_cast %swap3A_261 : vector<1x16xf32> to vector<16xf32>
          %swap3A_263 = vector.shape_cast %get3A_258 : vector<16xf32> to vector<1x16xf32>
          tpu.vector_store %arg13[%swap3A_259, %swap3A_260], %swap3A_263 {add = true, strides = array<i32>} : memref<32x768xf32, #tpu.memory_space<vmem>>, vector<1x16xf32>,
          %get3A_264 = arith.index_cast %scan3A_103 : i32 to index
          %get3A_265 = arith.constant 288 : index
          %get3A_266 = tpu.vector_load %arg14[%get3A_264, %get3A_265] {strides = array<i32>} : memref<32x768xf32, #tpu.memory_space<vmem>>, vector<1x16xf32>,
          %get3A_267 = vector.shape_cast %get3A_266 : vector<1x16xf32> to vector<16xf32>
          %swap3A_268 = arith.index_cast %scan3A_103 : i32 to index
          %swap3A_269 = arith.constant 288 : index
          %swap3A_270 = tpu.vector_load %arg13[%swap3A_268, %swap3A_269] {strides = array<i32>} : memref<32x768xf32, #tpu.memory_space<vmem>>, vector<1x16xf32>,
          %swap3A_271 = vector.shape_cast %swap3A_270 : vector<1x16xf32> to vector<16xf32>
          %swap3A_272 = vector.shape_cast %get3A_267 : vector<16xf32> to vector<1x16xf32>
          tpu.vector_store %arg13[%swap3A_268, %swap3A_269], %swap3A_272 {add = true, strides = array<i32>} : memref<32x768xf32, #tpu.memory_space<vmem>>, vector<1x16xf32>,
          %get3A_273 = arith.index_cast %scan3A_103 : i32 to index
          %get3A_274 = arith.constant 304 : index
          %get3A_275 = tpu.vector_load %arg14[%get3A_273, %get3A_274] {strides = array<i32>} : memref<32x768xf32, #tpu.memory_space<vmem>>, vector<1x16xf32>,
          %get3A_276 = vector.shape_cast %get3A_275 : vector<1x16xf32> to vector<16xf32>
          %swap3A_277 = arith.index_cast %scan3A_103 : i32 to index
          %swap3A_278 = arith.constant 304 : index
          %swap3A_279 = tpu.vector_load %arg13[%swap3A_277, %swap3A_278] {strides = array<i32>} : memref<32x768xf32, #tpu.memory_space<vmem>>, vector<1x16xf32>,
          %swap3A_280 = vector.shape_cast %swap3A_279 : vector<1x16xf32> to vector<16xf32>
          %swap3A_281 = vector.shape_cast %get3A_276 : vector<16xf32> to vector<1x16xf32>
          tpu.vector_store %arg13[%swap3A_277, %swap3A_278], %swap3A_281 {add = true, strides = array<i32>} : memref<32x768xf32, #tpu.memory_space<vmem>>, vector<1x16xf32>,
          %get3A_282 = arith.index_cast %scan3A_103 : i32 to index
          %get3A_283 = arith.constant 320 : index
          %get3A_284 = tpu.vector_load %arg14[%get3A_282, %get3A_283] {strides = array<i32>} : memref<32x768xf32, #tpu.memory_space<vmem>>, vector<1x16xf32>,
          %get3A_285 = vector.shape_cast %get3A_284 : vector<1x16xf32> to vector<16xf32>
          %swap3A_286 = arith.index_cast %scan3A_103 : i32 to index
          %swap3A_287 = arith.constant 320 : index
          %swap3A_288 = tpu.vector_load %arg13[%swap3A_286, %swap3A_287] {strides = array<i32>} : memref<32x768xf32, #tpu.memory_space<vmem>>, vector<1x16xf32>,
          %swap3A_289 = vector.shape_cast %swap3A_288 : vector<1x16xf32> to vector<16xf32>
          %swap3A_290 = vector.shape_cast %get3A_285 : vector<16xf32> to vector<1x16xf32>
          tpu.vector_store %arg13[%swap3A_286, %swap3A_287], %swap3A_290 {add = true, strides = array<i32>} : memref<32x768xf32, #tpu.memory_space<vmem>>, vector<1x16xf32>,
          %get3A_291 = arith.index_cast %scan3A_103 : i32 to index
          %get3A_292 = arith.constant 336 : index
          %get3A_293 = tpu.vector_load %arg14[%get3A_291, %get3A_292] {strides = array<i32>} : memref<32x768xf32, #tpu.memory_space<vmem>>, vector<1x16xf32>,
          %get3A_294 = vector.shape_cast %get3A_293 : vector<1x16xf32> to vector<16xf32>
          %swap3A_295 = arith.index_cast %scan3A_103 : i32 to index
          %swap3A_296 = arith.constant 336 : index
          %swap3A_297 = tpu.vector_load %arg13[%swap3A_295, %swap3A_296] {strides = array<i32>} : memref<32x768xf32, #tpu.memory_space<vmem>>, vector<1x16xf32>,
          %swap3A_298 = vector.shape_cast %swap3A_297 : vector<1x16xf32> to vector<16xf32>
          %swap3A_299 = vector.shape_cast %get3A_294 : vector<16xf32> to vector<1x16xf32>
          tpu.vector_store %arg13[%swap3A_295, %swap3A_296], %swap3A_299 {add = true, strides = array<i32>} : memref<32x768xf32, #tpu.memory_space<vmem>>, vector<1x16xf32>,
          %get3A_300 = arith.index_cast %scan3A_103 : i32 to index
          %get3A_301 = arith.constant 352 : index
          %get3A_302 = tpu.vector_load %arg14[%get3A_300, %get3A_301] {strides = array<i32>} : memref<32x768xf32, #tpu.memory_space<vmem>>, vector<1x16xf32>,
          %get3A_303 = vector.shape_cast %get3A_302 : vector<1x16xf32> to vector<16xf32>
          %swap3A_304 = arith.index_cast %scan3A_103 : i32 to index
          %swap3A_305 = arith.constant 352 : index
          %swap3A_306 = tpu.vector_load %arg13[%swap3A_304, %swap3A_305] {strides = array<i32>} : memref<32x768xf32, #tpu.memory_space<vmem>>, vector<1x16xf32>,
          %swap3A_307 = vector.shape_cast %swap3A_306 : vector<1x16xf32> to vector<16xf32>
          %swap3A_308 = vector.shape_cast %get3A_303 : vector<16xf32> to vector<1x16xf32>
          tpu.vector_store %arg13[%swap3A_304, %swap3A_305], %swap3A_308 {add = true, strides = array<i32>} : memref<32x768xf32, #tpu.memory_space<vmem>>, vector<1x16xf32>,
          %get3A_309 = arith.index_cast %scan3A_103 : i32 to index
          %get3A_310 = arith.constant 368 : index
          %get3A_311 = tpu.vector_load %arg14[%get3A_309, %get3A_310] {strides = array<i32>} : memref<32x768xf32, #tpu.memory_space<vmem>>, vector<1x16xf32>,
          %get3A_312 = vector.shape_cast %get3A_311 : vector<1x16xf32> to vector<16xf32>
          %swap3A_313 = arith.index_cast %scan3A_103 : i32 to index
          %swap3A_314 = arith.constant 368 : index
          %swap3A_315 = tpu.vector_load %arg13[%swap3A_313, %swap3A_314] {strides = array<i32>} : memref<32x768xf32, #tpu.memory_space<vmem>>, vector<1x16xf32>,
          %swap3A_316 = vector.shape_cast %swap3A_315 : vector<1x16xf32> to vector<16xf32>
          %swap3A_317 = vector.shape_cast %get3A_312 : vector<16xf32> to vector<1x16xf32>
          tpu.vector_store %arg13[%swap3A_313, %swap3A_314], %swap3A_317 {add = true, strides = array<i32>} : memref<32x768xf32, #tpu.memory_space<vmem>>, vector<1x16xf32>,
          %get3A_318 = arith.index_cast %scan3A_103 : i32 to index
          %get3A_319 = arith.constant 384 : index
          %get3A_320 = tpu.vector_load %arg14[%get3A_318, %get3A_319] {strides = array<i32>} : memref<32x768xf32, #tpu.memory_space<vmem>>, vector<1x16xf32>,
          %get3A_321 = vector.shape_cast %get3A_320 : vector<1x16xf32> to vector<16xf32>
          %swap3A_322 = arith.index_cast %scan3A_103 : i32 to index
          %swap3A_323 = arith.constant 384 : index
          %swap3A_324 = tpu.vector_load %arg13[%swap3A_322, %swap3A_323] {strides = array<i32>} : memref<32x768xf32, #tpu.memory_space<vmem>>, vector<1x16xf32>,
          %swap3A_325 = vector.shape_cast %swap3A_324 : vector<1x16xf32> to vector<16xf32>
          %swap3A_326 = vector.shape_cast %get3A_321 : vector<16xf32> to vector<1x16xf32>
          tpu.vector_store %arg13[%swap3A_322, %swap3A_323], %swap3A_326 {add = true, strides = array<i32>} : memref<32x768xf32, #tpu.memory_space<vmem>>, vector<1x16xf32>,
          %get3A_327 = arith.index_cast %scan3A_103 : i32 to index
          %get3A_328 = arith.constant 400 : index
          %get3A_329 = tpu.vector_load %arg14[%get3A_327, %get3A_328] {strides = array<i32>} : memref<32x768xf32, #tpu.memory_space<vmem>>, vector<1x16xf32>,
          %get3A_330 = vector.shape_cast %get3A_329 : vector<1x16xf32> to vector<16xf32>
          %swap3A_331 = arith.index_cast %scan3A_103 : i32 to index
          %swap3A_332 = arith.constant 400 : index
          %swap3A_333 = tpu.vector_load %arg13[%swap3A_331, %swap3A_332] {strides = array<i32>} : memref<32x768xf32, #tpu.memory_space<vmem>>, vector<1x16xf32>,
          %swap3A_334 = vector.shape_cast %swap3A_333 : vector<1x16xf32> to vector<16xf32>
          %swap3A_335 = vector.shape_cast %get3A_330 : vector<16xf32> to vector<1x16xf32>
          tpu.vector_store %arg13[%swap3A_331, %swap3A_332], %swap3A_335 {add = true, strides = array<i32>} : memref<32x768xf32, #tpu.memory_space<vmem>>, vector<1x16xf32>,
          %get3A_336 = arith.index_cast %scan3A_103 : i32 to index
          %get3A_337 = arith.constant 416 : index
          %get3A_338 = tpu.vector_load %arg14[%get3A_336, %get3A_337] {strides = array<i32>} : memref<32x768xf32, #tpu.memory_space<vmem>>, vector<1x16xf32>,
          %get3A_339 = vector.shape_cast %get3A_338 : vector<1x16xf32> to vector<16xf32>
          %swap3A_340 = arith.index_cast %scan3A_103 : i32 to index
          %swap3A_341 = arith.constant 416 : index
          %swap3A_342 = tpu.vector_load %arg13[%swap3A_340, %swap3A_341] {strides = array<i32>} : memref<32x768xf32, #tpu.memory_space<vmem>>, vector<1x16xf32>,
          %swap3A_343 = vector.shape_cast %swap3A_342 : vector<1x16xf32> to vector<16xf32>
          %swap3A_344 = vector.shape_cast %get3A_339 : vector<16xf32> to vector<1x16xf32>
          tpu.vector_store %arg13[%swap3A_340, %swap3A_341], %swap3A_344 {add = true, strides = array<i32>} : memref<32x768xf32, #tpu.memory_space<vmem>>, vector<1x16xf32>,
          %get3A_345 = arith.index_cast %scan3A_103 : i32 to index
          %get3A_346 = arith.constant 432 : index
          %get3A_347 = tpu.vector_load %arg14[%get3A_345, %get3A_346] {strides = array<i32>} : memref<32x768xf32, #tpu.memory_space<vmem>>, vector<1x16xf32>,
          %get3A_348 = vector.shape_cast %get3A_347 : vector<1x16xf32> to vector<16xf32>
          %swap3A_349 = arith.index_cast %scan3A_103 : i32 to index
          %swap3A_350 = arith.constant 432 : index
          %swap3A_351 = tpu.vector_load %arg13[%swap3A_349, %swap3A_350] {strides = array<i32>} : memref<32x768xf32, #tpu.memory_space<vmem>>, vector<1x16xf32>,
          %swap3A_352 = vector.shape_cast %swap3A_351 : vector<1x16xf32> to vector<16xf32>
          %swap3A_353 = vector.shape_cast %get3A_348 : vector<16xf32> to vector<1x16xf32>
          tpu.vector_store %arg13[%swap3A_349, %swap3A_350], %swap3A_353 {add = true, strides = array<i32>} : memref<32x768xf32, #tpu.memory_space<vmem>>, vector<1x16xf32>,
          %get3A_354 = arith.index_cast %scan3A_103 : i32 to index
          %get3A_355 = arith.constant 448 : index
          %get3A_356 = tpu.vector_load %arg14[%get3A_354, %get3A_355] {strides = array<i32>} : memref<32x768xf32, #tpu.memory_space<vmem>>, vector<1x16xf32>,
          %get3A_357 = vector.shape_cast %get3A_356 : vector<1x16xf32> to vector<16xf32>
          %swap3A_358 = arith.index_cast %scan3A_103 : i32 to index
          %swap3A_359 = arith.constant 448 : index
          %swap3A_360 = tpu.vector_load %arg13[%swap3A_358, %swap3A_359] {strides = array<i32>} : memref<32x768xf32, #tpu.memory_space<vmem>>, vector<1x16xf32>,
          %swap3A_361 = vector.shape_cast %swap3A_360 : vector<1x16xf32> to vector<16xf32>
          %swap3A_362 = vector.shape_cast %get3A_357 : vector<16xf32> to vector<1x16xf32>
          tpu.vector_store %arg13[%swap3A_358, %swap3A_359], %swap3A_362 {add = true, strides = array<i32>} : memref<32x768xf32, #tpu.memory_space<vmem>>, vector<1x16xf32>,
          %get3A_363 = arith.index_cast %scan3A_103 : i32 to index
          %get3A_364 = arith.constant 464 : index
          %get3A_365 = tpu.vector_load %arg14[%get3A_363, %get3A_364] {strides = array<i32>} : memref<32x768xf32, #tpu.memory_space<vmem>>, vector<1x16xf32>,
          %get3A_366 = vector.shape_cast %get3A_365 : vector<1x16xf32> to vector<16xf32>
          %swap3A_367 = arith.index_cast %scan3A_103 : i32 to index
          %swap3A_368 = arith.constant 464 : index
          %swap3A_369 = tpu.vector_load %arg13[%swap3A_367, %swap3A_368] {strides = array<i32>} : memref<32x768xf32, #tpu.memory_space<vmem>>, vector<1x16xf32>,
          %swap3A_370 = vector.shape_cast %swap3A_369 : vector<1x16xf32> to vector<16xf32>
          %swap3A_371 = vector.shape_cast %get3A_366 : vector<16xf32> to vector<1x16xf32>
          tpu.vector_store %arg13[%swap3A_367, %swap3A_368], %swap3A_371 {add = true, strides = array<i32>} : memref<32x768xf32, #tpu.memory_space<vmem>>, vector<1x16xf32>,
          %get3A_372 = arith.index_cast %scan3A_103 : i32 to index
          %get3A_373 = arith.constant 480 : index
          %get3A_374 = tpu.vector_load %arg14[%get3A_372, %get3A_373] {strides = array<i32>} : memref<32x768xf32, #tpu.memory_space<vmem>>, vector<1x16xf32>,
          %get3A_375 = vector.shape_cast %get3A_374 : vector<1x16xf32> to vector<16xf32>
          %swap3A_376 = arith.index_cast %scan3A_103 : i32 to index
          %swap3A_377 = arith.constant 480 : index
          %swap3A_378 = tpu.vector_load %arg13[%swap3A_376, %swap3A_377] {strides = array<i32>} : memref<32x768xf32, #tpu.memory_space<vmem>>, vector<1x16xf32>,
          %swap3A_379 = vector.shape_cast %swap3A_378 : vector<1x16xf32> to vector<16xf32>
          %swap3A_380 = vector.shape_cast %get3A_375 : vector<16xf32> to vector<1x16xf32>
          tpu.vector_store %arg13[%swap3A_376, %swap3A_377], %swap3A_380 {add = true, strides = array<i32>} : memref<32x768xf32, #tpu.memory_space<vmem>>, vector<1x16xf32>,
          %get3A_381 = arith.index_cast %scan3A_103 : i32 to index
          %get3A_382 = arith.constant 496 : index
          %get3A_383 = tpu.vector_load %arg14[%get3A_381, %get3A_382] {strides = array<i32>} : memref<32x768xf32, #tpu.memory_space<vmem>>, vector<1x16xf32>,
          %get3A_384 = vector.shape_cast %get3A_383 : vector<1x16xf32> to vector<16xf32>
          %swap3A_385 = arith.index_cast %scan3A_103 : i32 to index
          %swap3A_386 = arith.constant 496 : index
          %swap3A_387 = tpu.vector_load %arg13[%swap3A_385, %swap3A_386] {strides = array<i32>} : memref<32x768xf32, #tpu.memory_space<vmem>>, vector<1x16xf32>,
          %swap3A_388 = vector.shape_cast %swap3A_387 : vector<1x16xf32> to vector<16xf32>
          %swap3A_389 = vector.shape_cast %get3A_384 : vector<16xf32> to vector<1x16xf32>
          tpu.vector_store %arg13[%swap3A_385, %swap3A_386], %swap3A_389 {add = true, strides = array<i32>} : memref<32x768xf32, #tpu.memory_space<vmem>>, vector<1x16xf32>,
          %get3A_390 = arith.index_cast %scan3A_103 : i32 to index
          %get3A_391 = arith.constant 512 : index
          %get3A_392 = tpu.vector_load %arg14[%get3A_390, %get3A_391] {strides = array<i32>} : memref<32x768xf32, #tpu.memory_space<vmem>>, vector<1x16xf32>,
          %get3A_393 = vector.shape_cast %get3A_392 : vector<1x16xf32> to vector<16xf32>
          %swap3A_394 = arith.index_cast %scan3A_103 : i32 to index
          %swap3A_395 = arith.constant 512 : index
          %swap3A_396 = tpu.vector_load %arg13[%swap3A_394, %swap3A_395] {strides = array<i32>} : memref<32x768xf32, #tpu.memory_space<vmem>>, vector<1x16xf32>,
          %swap3A_397 = vector.shape_cast %swap3A_396 : vector<1x16xf32> to vector<16xf32>
          %swap3A_398 = vector.shape_cast %get3A_393 : vector<16xf32> to vector<1x16xf32>
          tpu.vector_store %arg13[%swap3A_394, %swap3A_395], %swap3A_398 {add = true, strides = array<i32>} : memref<32x768xf32, #tpu.memory_space<vmem>>, vector<1x16xf32>,
          %get3A_399 = arith.index_cast %scan3A_103 : i32 to index
          %get3A_400 = arith.constant 528 : index
          %get3A_401 = tpu.vector_load %arg14[%get3A_399, %get3A_400] {strides = array<i32>} : memref<32x768xf32, #tpu.memory_space<vmem>>, vector<1x16xf32>,
          %get3A_402 = vector.shape_cast %get3A_401 : vector<1x16xf32> to vector<16xf32>
          %swap3A_403 = arith.index_cast %scan3A_103 : i32 to index
          %swap3A_404 = arith.constant 528 : index
          %swap3A_405 = tpu.vector_load %arg13[%swap3A_403, %swap3A_404] {strides = array<i32>} : memref<32x768xf32, #tpu.memory_space<vmem>>, vector<1x16xf32>,
          %swap3A_406 = vector.shape_cast %swap3A_405 : vector<1x16xf32> to vector<16xf32>
          %swap3A_407 = vector.shape_cast %get3A_402 : vector<16xf32> to vector<1x16xf32>
          tpu.vector_store %arg13[%swap3A_403, %swap3A_404], %swap3A_407 {add = true, strides = array<i32>} : memref<32x768xf32, #tpu.memory_space<vmem>>, vector<1x16xf32>,
          %get3A_408 = arith.index_cast %scan3A_103 : i32 to index
          %get3A_409 = arith.constant 544 : index
          %get3A_410 = tpu.vector_load %arg14[%get3A_408, %get3A_409] {strides = array<i32>} : memref<32x768xf32, #tpu.memory_space<vmem>>, vector<1x16xf32>,
          %get3A_411 = vector.shape_cast %get3A_410 : vector<1x16xf32> to vector<16xf32>
          %swap3A_412 = arith.index_cast %scan3A_103 : i32 to index
          %swap3A_413 = arith.constant 544 : index
          %swap3A_414 = tpu.vector_load %arg13[%swap3A_412, %swap3A_413] {strides = array<i32>} : memref<32x768xf32, #tpu.memory_space<vmem>>, vector<1x16xf32>,
          %swap3A_415 = vector.shape_cast %swap3A_414 : vector<1x16xf32> to vector<16xf32>
          %swap3A_416 = vector.shape_cast %get3A_411 : vector<16xf32> to vector<1x16xf32>
          tpu.vector_store %arg13[%swap3A_412, %swap3A_413], %swap3A_416 {add = true, strides = array<i32>} : memref<32x768xf32, #tpu.memory_space<vmem>>, vector<1x16xf32>,
          %get3A_417 = arith.index_cast %scan3A_103 : i32 to index
          %get3A_418 = arith.constant 560 : index
          %get3A_419 = tpu.vector_load %arg14[%get3A_417, %get3A_418] {strides = array<i32>} : memref<32x768xf32, #tpu.memory_space<vmem>>, vector<1x16xf32>,
          %get3A_420 = vector.shape_cast %get3A_419 : vector<1x16xf32> to vector<16xf32>
          %swap3A_421 = arith.index_cast %scan3A_103 : i32 to index
          %swap3A_422 = arith.constant 560 : index
          %swap3A_423 = tpu.vector_load %arg13[%swap3A_421, %swap3A_422] {strides = array<i32>} : memref<32x768xf32, #tpu.memory_space<vmem>>, vector<1x16xf32>,
          %swap3A_424 = vector.shape_cast %swap3A_423 : vector<1x16xf32> to vector<16xf32>
          %swap3A_425 = vector.shape_cast %get3A_420 : vector<16xf32> to vector<1x16xf32>
          tpu.vector_store %arg13[%swap3A_421, %swap3A_422], %swap3A_425 {add = true, strides = array<i32>} : memref<32x768xf32, #tpu.memory_space<vmem>>, vector<1x16xf32>,
          %get3A_426 = arith.index_cast %scan3A_103 : i32 to index
          %get3A_427 = arith.constant 576 : index
          %get3A_428 = tpu.vector_load %arg14[%get3A_426, %get3A_427] {strides = array<i32>} : memref<32x768xf32, #tpu.memory_space<vmem>>, vector<1x16xf32>,
          %get3A_429 = vector.shape_cast %get3A_428 : vector<1x16xf32> to vector<16xf32>
          %swap3A_430 = arith.index_cast %scan3A_103 : i32 to index
          %swap3A_431 = arith.constant 576 : index
          %swap3A_432 = tpu.vector_load %arg13[%swap3A_430, %swap3A_431] {strides = array<i32>} : memref<32x768xf32, #tpu.memory_space<vmem>>, vector<1x16xf32>,
          %swap3A_433 = vector.shape_cast %swap3A_432 : vector<1x16xf32> to vector<16xf32>
          %swap3A_434 = vector.shape_cast %get3A_429 : vector<16xf32> to vector<1x16xf32>
          tpu.vector_store %arg13[%swap3A_430, %swap3A_431], %swap3A_434 {add = true, strides = array<i32>} : memref<32x768xf32, #tpu.memory_space<vmem>>, vector<1x16xf32>,
          %get3A_435 = arith.index_cast %scan3A_103 : i32 to index
          %get3A_436 = arith.constant 592 : index
          %get3A_437 = tpu.vector_load %arg14[%get3A_435, %get3A_436] {strides = array<i32>} : memref<32x768xf32, #tpu.memory_space<vmem>>, vector<1x16xf32>,
          %get3A_438 = vector.shape_cast %get3A_437 : vector<1x16xf32> to vector<16xf32>
          %swap3A_439 = arith.index_cast %scan3A_103 : i32 to index
          %swap3A_440 = arith.constant 592 : index
          %swap3A_441 = tpu.vector_load %arg13[%swap3A_439, %swap3A_440] {strides = array<i32>} : memref<32x768xf32, #tpu.memory_space<vmem>>, vector<1x16xf32>,
          %swap3A_442 = vector.shape_cast %swap3A_441 : vector<1x16xf32> to vector<16xf32>
          %swap3A_443 = vector.shape_cast %get3A_438 : vector<16xf32> to vector<1x16xf32>
          tpu.vector_store %arg13[%swap3A_439, %swap3A_440], %swap3A_443 {add = true, strides = array<i32>} : memref<32x768xf32, #tpu.memory_space<vmem>>, vector<1x16xf32>,
          %get3A_444 = arith.index_cast %scan3A_103 : i32 to index
          %get3A_445 = arith.constant 608 : index
          %get3A_446 = tpu.vector_load %arg14[%get3A_444, %get3A_445] {strides = array<i32>} : memref<32x768xf32, #tpu.memory_space<vmem>>, vector<1x16xf32>,
          %get3A_447 = vector.shape_cast %get3A_446 : vector<1x16xf32> to vector<16xf32>
          %swap3A_448 = arith.index_cast %scan3A_103 : i32 to index
          %swap3A_449 = arith.constant 608 : index
          %swap3A_450 = tpu.vector_load %arg13[%swap3A_448, %swap3A_449] {strides = array<i32>} : memref<32x768xf32, #tpu.memory_space<vmem>>, vector<1x16xf32>,
          %swap3A_451 = vector.shape_cast %swap3A_450 : vector<1x16xf32> to vector<16xf32>
          %swap3A_452 = vector.shape_cast %get3A_447 : vector<16xf32> to vector<1x16xf32>
          tpu.vector_store %arg13[%swap3A_448, %swap3A_449], %swap3A_452 {add = true, strides = array<i32>} : memref<32x768xf32, #tpu.memory_space<vmem>>, vector<1x16xf32>,
          %get3A_453 = arith.index_cast %scan3A_103 : i32 to index
          %get3A_454 = arith.constant 624 : index
          %get3A_455 = tpu.vector_load %arg14[%get3A_453, %get3A_454] {strides = array<i32>} : memref<32x768xf32, #tpu.memory_space<vmem>>, vector<1x16xf32>,
          %get3A_456 = vector.shape_cast %get3A_455 : vector<1x16xf32> to vector<16xf32>
          %swap3A_457 = arith.index_cast %scan3A_103 : i32 to index
          %swap3A_458 = arith.constant 624 : index
          %swap3A_459 = tpu.vector_load %arg13[%swap3A_457, %swap3A_458] {strides = array<i32>} : memref<32x768xf32, #tpu.memory_space<vmem>>, vector<1x16xf32>,
          %swap3A_460 = vector.shape_cast %swap3A_459 : vector<1x16xf32> to vector<16xf32>
          %swap3A_461 = vector.shape_cast %get3A_456 : vector<16xf32> to vector<1x16xf32>
          tpu.vector_store %arg13[%swap3A_457, %swap3A_458], %swap3A_461 {add = true, strides = array<i32>} : memref<32x768xf32, #tpu.memory_space<vmem>>, vector<1x16xf32>,
          %get3A_462 = arith.index_cast %scan3A_103 : i32 to index
          %get3A_463 = arith.constant 640 : index
          %get3A_464 = tpu.vector_load %arg14[%get3A_462, %get3A_463] {strides = array<i32>} : memref<32x768xf32, #tpu.memory_space<vmem>>, vector<1x16xf32>,
          %get3A_465 = vector.shape_cast %get3A_464 : vector<1x16xf32> to vector<16xf32>
          %swap3A_466 = arith.index_cast %scan3A_103 : i32 to index
          %swap3A_467 = arith.constant 640 : index
          %swap3A_468 = tpu.vector_load %arg13[%swap3A_466, %swap3A_467] {strides = array<i32>} : memref<32x768xf32, #tpu.memory_space<vmem>>, vector<1x16xf32>,
          %swap3A_469 = vector.shape_cast %swap3A_468 : vector<1x16xf32> to vector<16xf32>
          %swap3A_470 = vector.shape_cast %get3A_465 : vector<16xf32> to vector<1x16xf32>
          tpu.vector_store %arg13[%swap3A_466, %swap3A_467], %swap3A_470 {add = true, strides = array<i32>} : memref<32x768xf32, #tpu.memory_space<vmem>>, vector<1x16xf32>,
          %get3A_471 = arith.index_cast %scan3A_103 : i32 to index
          %get3A_472 = arith.constant 656 : index
          %get3A_473 = tpu.vector_load %arg14[%get3A_471, %get3A_472] {strides = array<i32>} : memref<32x768xf32, #tpu.memory_space<vmem>>, vector<1x16xf32>,
          %get3A_474 = vector.shape_cast %get3A_473 : vector<1x16xf32> to vector<16xf32>
          %swap3A_475 = arith.index_cast %scan3A_103 : i32 to index
          %swap3A_476 = arith.constant 656 : index
          %swap3A_477 = tpu.vector_load %arg13[%swap3A_475, %swap3A_476] {strides = array<i32>} : memref<32x768xf32, #tpu.memory_space<vmem>>, vector<1x16xf32>,
          %swap3A_478 = vector.shape_cast %swap3A_477 : vector<1x16xf32> to vector<16xf32>
          %swap3A_479 = vector.shape_cast %get3A_474 : vector<16xf32> to vector<1x16xf32>
          tpu.vector_store %arg13[%swap3A_475, %swap3A_476], %swap3A_479 {add = true, strides = array<i32>} : memref<32x768xf32, #tpu.memory_space<vmem>>, vector<1x16xf32>,
          %get3A_480 = arith.index_cast %scan3A_103 : i32 to index
          %get3A_481 = arith.constant 672 : index
          %get3A_482 = tpu.vector_load %arg14[%get3A_480, %get3A_481] {strides = array<i32>} : memref<32x768xf32, #tpu.memory_space<vmem>>, vector<1x16xf32>,
          %get3A_483 = vector.shape_cast %get3A_482 : vector<1x16xf32> to vector<16xf32>
          %swap3A_484 = arith.index_cast %scan3A_103 : i32 to index
          %swap3A_485 = arith.constant 672 : index
          %swap3A_486 = tpu.vector_load %arg13[%swap3A_484, %swap3A_485] {strides = array<i32>} : memref<32x768xf32, #tpu.memory_space<vmem>>, vector<1x16xf32>,
          %swap3A_487 = vector.shape_cast %swap3A_486 : vector<1x16xf32> to vector<16xf32>
          %swap3A_488 = vector.shape_cast %get3A_483 : vector<16xf32> to vector<1x16xf32>
          tpu.vector_store %arg13[%swap3A_484, %swap3A_485], %swap3A_488 {add = true, strides = array<i32>} : memref<32x768xf32, #tpu.memory_space<vmem>>, vector<1x16xf32>,
          %get3A_489 = arith.index_cast %scan3A_103 : i32 to index
          %get3A_490 = arith.constant 688 : index
          %get3A_491 = tpu.vector_load %arg14[%get3A_489, %get3A_490] {strides = array<i32>} : memref<32x768xf32, #tpu.memory_space<vmem>>, vector<1x16xf32>,
          %get3A_492 = vector.shape_cast %get3A_491 : vector<1x16xf32> to vector<16xf32>
          %swap3A_493 = arith.index_cast %scan3A_103 : i32 to index
          %swap3A_494 = arith.constant 688 : index
          %swap3A_495 = tpu.vector_load %arg13[%swap3A_493, %swap3A_494] {strides = array<i32>} : memref<32x768xf32, #tpu.memory_space<vmem>>, vector<1x16xf32>,
          %swap3A_496 = vector.shape_cast %swap3A_495 : vector<1x16xf32> to vector<16xf32>
          %swap3A_497 = vector.shape_cast %get3A_492 : vector<16xf32> to vector<1x16xf32>
          tpu.vector_store %arg13[%swap3A_493, %swap3A_494], %swap3A_497 {add = true, strides = array<i32>} : memref<32x768xf32, #tpu.memory_space<vmem>>, vector<1x16xf32>,
          %get3A_498 = arith.index_cast %scan3A_103 : i32 to index
          %get3A_499 = arith.constant 704 : index
          %get3A_500 = tpu.vector_load %arg14[%get3A_498, %get3A_499] {strides = array<i32>} : memref<32x768xf32, #tpu.memory_space<vmem>>, vector<1x16xf32>,
          %get3A_501 = vector.shape_cast %get3A_500 : vector<1x16xf32> to vector<16xf32>
          %swap3A_502 = arith.index_cast %scan3A_103 : i32 to index
          %swap3A_503 = arith.constant 704 : index
          %swap3A_504 = tpu.vector_load %arg13[%swap3A_502, %swap3A_503] {strides = array<i32>} : memref<32x768xf32, #tpu.memory_space<vmem>>, vector<1x16xf32>,
          %swap3A_505 = vector.shape_cast %swap3A_504 : vector<1x16xf32> to vector<16xf32>
          %swap3A_506 = vector.shape_cast %get3A_501 : vector<16xf32> to vector<1x16xf32>
          tpu.vector_store %arg13[%swap3A_502, %swap3A_503], %swap3A_506 {add = true, strides = array<i32>} : memref<32x768xf32, #tpu.memory_space<vmem>>, vector<1x16xf32>,
          %get3A_507 = arith.index_cast %scan3A_103 : i32 to index
          %get3A_508 = arith.constant 720 : index
          %get3A_509 = tpu.vector_load %arg14[%get3A_507, %get3A_508] {strides = array<i32>} : memref<32x768xf32, #tpu.memory_space<vmem>>, vector<1x16xf32>,
          %get3A_510 = vector.shape_cast %get3A_509 : vector<1x16xf32> to vector<16xf32>
          %swap3A_511 = arith.index_cast %scan3A_103 : i32 to index
          %swap3A_512 = arith.constant 720 : index
          %swap3A_513 = tpu.vector_load %arg13[%swap3A_511, %swap3A_512] {strides = array<i32>} : memref<32x768xf32, #tpu.memory_space<vmem>>, vector<1x16xf32>,
          %swap3A_514 = vector.shape_cast %swap3A_513 : vector<1x16xf32> to vector<16xf32>
          %swap3A_515 = vector.shape_cast %get3A_510 : vector<16xf32> to vector<1x16xf32>
          tpu.vector_store %arg13[%swap3A_511, %swap3A_512], %swap3A_515 {add = true, strides = array<i32>} : memref<32x768xf32, #tpu.memory_space<vmem>>, vector<1x16xf32>,
          %get3A_516 = arith.index_cast %scan3A_103 : i32 to index
          %get3A_517 = arith.constant 736 : index
          %get3A_518 = tpu.vector_load %arg14[%get3A_516, %get3A_517] {strides = array<i32>} : memref<32x768xf32, #tpu.memory_space<vmem>>, vector<1x16xf32>,
          %get3A_519 = vector.shape_cast %get3A_518 : vector<1x16xf32> to vector<16xf32>
          %swap3A_520 = arith.index_cast %scan3A_103 : i32 to index
          %swap3A_521 = arith.constant 736 : index
          %swap3A_522 = tpu.vector_load %arg13[%swap3A_520, %swap3A_521] {strides = array<i32>} : memref<32x768xf32, #tpu.memory_space<vmem>>, vector<1x16xf32>,
          %swap3A_523 = vector.shape_cast %swap3A_522 : vector<1x16xf32> to vector<16xf32>
          %swap3A_524 = vector.shape_cast %get3A_519 : vector<16xf32> to vector<1x16xf32>
          tpu.vector_store %arg13[%swap3A_520, %swap3A_521], %swap3A_524 {add = true, strides = array<i32>} : memref<32x768xf32, #tpu.memory_space<vmem>>, vector<1x16xf32>,
          %get3A_525 = arith.index_cast %scan3A_103 : i32 to index
          %get3A_526 = arith.constant 752 : index
          %get3A_527 = tpu.vector_load %arg14[%get3A_525, %get3A_526] {strides = array<i32>} : memref<32x768xf32, #tpu.memory_space<vmem>>, vector<1x16xf32>,
          %get3A_528 = vector.shape_cast %get3A_527 : vector<1x16xf32> to vector<16xf32>
          %swap3A_529 = arith.index_cast %scan3A_103 : i32 to index
          %swap3A_530 = arith.constant 752 : index
          %swap3A_531 = tpu.vector_load %arg13[%swap3A_529, %swap3A_530] {strides = array<i32>} : memref<32x768xf32, #tpu.memory_space<vmem>>, vector<1x16xf32>,
          %swap3A_532 = vector.shape_cast %swap3A_531 : vector<1x16xf32> to vector<16xf32>
          %swap3A_533 = vector.shape_cast %get3A_528 : vector<16xf32> to vector<1x16xf32>
          tpu.vector_store %arg13[%swap3A_529, %swap3A_530], %swap3A_533 {add = true, strides = array<i32>} : memref<32x768xf32, #tpu.memory_space<vmem>>, vector<1x16xf32>,
        }
        %scan3A_95 = arith.constant 32 : i32
        %mul3A_96 = arith.constant 32 : i32
        %mul3A_97 = arith.muli %scan3A_36, %mul3A_96 : i32
        %add3A_98 = arith.addi %mul3A_2, %mul3A_97 : i32
        %dma_start3A_99 = arith.constant 0 : i32
        %dma_start3A_100 = tpu.memref_slice %arg6[%add3A_98, %dma_start3A_99] : memref<78848x768xf32, #tpu.memory_space<hbm>> -> memref<32x768xf32, #tpu.memory_space<hbm>>
        %dma_start3A_101 = arith.constant 0 : i32
        %dma_start3A_102 = tpu.memref_slice %arg6[%add3A_98, %dma_start3A_101] : memref<78848x768xf32, #tpu.memory_space<hbm>> -> memref<32x768xf32, #tpu.memory_space<hbm>>
        tpu.enqueue_dma source(%arg13 : memref<32x768xf32, #tpu.memory_space<vmem>>) target(%dma_start3A_102 : memref<32x768xf32, #tpu.memory_space<hbm>>) target_semaphore(%arg16 : memref<!tpu.dma_semaphore, #tpu.memory_space<semaphore_mem>>)
      } else {
      }
    }
    %scan3A_24 = arith.constant 77 : i32
    %dma_wait3A = arith.constant 0 : i32
    %dma_wait3A_25 = arith.constant 0 : i32
    %dma_wait3A_26 = tpu.memref_slice %arg6[%dma_wait3A, %dma_wait3A_25] : memref<78848x768xf32, #tpu.memory_space<hbm>> -> memref<32x768xf32, #tpu.memory_space<hbm>>
    %dma_wait3A_27 = arith.constant 0 : i32
    %dma_wait3A_28 = arith.constant 0 : i32
    %dma_wait3A_29 = tpu.memref_slice %arg6[%dma_wait3A_27, %dma_wait3A_28] : memref<78848x768xf32, #tpu.memory_space<hbm>> -> memref<32x768xf32, #tpu.memory_space<hbm>>
    tpu.wait_dma2 semaphore(%arg12 : memref<!tpu.dma_semaphore, #tpu.memory_space<semaphore_mem>>) src(%arg9 : memref<32x768xf32, #tpu.memory_space<vmem>>) dst(%dma_wait3A_29 : memref<32x768xf32, #tpu.memory_space<hbm>>)
    %dma_wait3A_30 = arith.constant 0 : i32
    %dma_wait3A_31 = arith.constant 0 : i32
    %dma_wait3A_32 = tpu.memref_slice %arg6[%dma_wait3A_30, %dma_wait3A_31] : memref<78848x768xf32, #tpu.memory_space<hbm>> -> memref<32x768xf32, #tpu.memory_space<hbm>>
    %dma_wait3A_33 = arith.constant 0 : i32
    %dma_wait3A_34 = arith.constant 0 : i32
    %dma_wait3A_35 = tpu.memref_slice %arg6[%dma_wait3A_33, %dma_wait3A_34] : memref<78848x768xf32, #tpu.memory_space<hbm>> -> memref<32x768xf32, #tpu.memory_space<hbm>>
    tpu.wait_dma2 semaphore(%arg16 : memref<!tpu.dma_semaphore, #tpu.memory_space<semaphore_mem>>) src(%arg13 : memref<32x768xf32, #tpu.memory_space<vmem>>) dst(%dma_wait3A_35 : memref<32x768xf32, #tpu.memory_space<hbm>>)
    return
  }
}

</mosaic_0001>

<sc_bundles>
// kernel: kernel.3.cloned.1.call-start
scs
__scs_entry_jumppad:
0x0: {  	(pc) =	sbr.rel $0x88, $3  }
0x1: {  	(tag) =	ssettag $0x0;
	lr =	simm.s32 $0x1  }
0x2: {  	[smem:$0x3F9D] =	sst lr;
	_ =	strace $0xD0000000  }
0x3: {  	_ = 	snop  }
0x4: {  	_ = 	snop  }
0x5: {  	_ = 	snop  }
0x6: {  	_ = 	snop  }
0x7: {  	_ = 	snop  }
__scs_overlays_trampoline_lowered:
0x8: {  	[smem:$0x3FAC] =	sst s0  }
0x9: {  	[smem:$0x3FAD] =	sst s1  }
0xa: {  	[smem:$0x3FAE] =	sst s2  }
0xb: {  	[smem:$0x3FAF] =	sst s3  }
0xc: {  	[smem:$0x3FB0] =	sst s4  }
0xd: {  	[smem:$0x3FB1] =	sst s5  }
0xe: {  	[smem:$0x3FB2] =	sst s6  }
0xf: {  	[smem:$0x3FB3] =	sst s7  }
0x10: {  	[smem:$0x3FB4] =	sst s8  }
0x11: {  	[smem:$0x3FB5] =	sst s9;
	s0 =	simm.s32 @!p0 $0x0  }
0x12: {  	s1 =	sld [smem:$0x3F9B];
	s0 =	simm.s32 @p0 $0x1  }
0x13: {  	[smem:$0x3FB6] =	sst s0;
	s0 =	simm.s32 @!p1 $0x0  }
0x14: {  	s2 =	sld [smem:$0x3F9A];
	s0 =	simm.s32 @p1 $0x1  }
0x15: {  	[smem:$0x3FB7] =	sst s0;
	s0 =	simm.s32 @!p2 $0x0  }
0x16: {  	s3 =	sld [smem:$0x3FDB];
	s0 =	simm.s32 @p2 $0x1  }
0x17: {  	s4 =	simm.s32 $0x1BF5;
	[smem:$0x3FB9] =	sst s0  }
0x18: {  	s0 =	sld [smem:$0x3F9C];
	_ =	swait.ge [sflag:s4], $0x0  }
0x19: {  	s7 =	sld [smem:$0x3F9D]  }
0x1a: {  	s8 =	sadd.s32 $0xFFFFE003, lr  }
0x1b: {  	s9 =	sadd.s32 $0xFFFFFEF7, lr;
	s5 =	simm.s32 $0xFFFFFFFF;
	p2 =	slt.u32 s8, $0xFFFFF086  }
0x1c: {  	p1 =	slt.u32 s9, $0xF7A;
	s5 =	simm.s32 @!p2 $0x0  }
0x1d: {  	s5 =	simm.s32 @p1 $0x1;
	p0 =	seq.s32 s7, s2  }
0x1e: {  	s7 =	smul.u32 @!p0 $0xF7A, s2;
	p2 =	seq.s32 @!p0 s5, $0x0  }
0x1f: {  	s9 =	smul.u32 $0xF7A, s1;
	s8 =	simm.s32 @!p0 $0x1BF5;
	p2 =	por !p2, p0  }
0x20: {  	[sflag:s8] =	ssyncset.s32 @!p0 $0xFFFFF086;
	s6 =	sadd.s32 @!p0 s3, s7;
	s7 =	simm.s32 @!p0 $0x108  }
0x21: {  	s3 =	sadd.s32 s3, s9;
	s6 =	sadd.s32 @!p0 $0x88, s6;
	s7 =	simm.s32 @p2 $0x1082  }
0x22: {  	[simem:s7], [sflag:s8] =	dma.local @!p0 [hbm:s6], $0xF7A  }
0x23: {  	s9 =	sor.u32 $0xD0000000, s2;
	s6 =	simm.s32 $0x108;
	_ =	swait.ge @!p0 [sflag:s8], $0x0  }
0x24: {  	s3 =	sadd.s32 $0x88, s3;
	s6 =	simm.s32 @!p1 $0x1082;
	[sflag:s4] =	ssyncset.s32 $0xFFFFF086  }
0x25: {  	[simem:s6], [sflag:s4] =	dma.local [hbm:s3], $0xF7A  }
0x26: {  	[smem:$0x3F9D] =	sst s1;
	(tag) =	ssettag s2;
	_ =	strace s9  }
0x27: {  	s1 =	sld [smem:$0x3FAD]  }
0x28: {  	s2 =	sld [smem:$0x3FAE]  }
0x29: {  	s4 =	sld [smem:$0x3FB0]  }
0x2a: {  	p0 =	seq.s32 s5, $0x0;
	s5 =	sld [smem:$0x3FB1]  }
0x2b: {  	s6 =	sld [smem:$0x3FB2]  }
0x2c: {  	s7 =	sld [smem:$0x3FB3]  }
0x2d: {  	s3 =	simm.s32 $0x108;
	s8 =	sld [smem:$0x3FB4]  }
0x2e: {  	s3 =	simm.s32 @!p0 $0x1082;
	s9 =	sld [smem:$0x3FB5]  }
0x2f: {  	lr =	sadd.s32 s0, s3;
	s0 =	sld [smem:$0x3FAC]  }
0x30: {  	s3 =	sld [smem:$0x3FAF]  }
0x31: {  	[smem:$0x3FB8] =	sst s10  }
0x32: {  	s10 =	sld [smem:$0x3FB6];
	_ =	sdelay $0x3  }
0x33: {  	p0 =	seq.s32 s10, $0x1;
	s10 =	sld [smem:$0x3FB8];
	_ =	sdelay $0x3  }
0x34: {  	[smem:$0x3FB8] =	sst s10  }
0x35: {  	s10 =	sld [smem:$0x3FB7];
	_ =	sdelay $0x3  }
0x36: {  	p1 =	seq.s32 s10, $0x1;
	s10 =	sld [smem:$0x3FB8];
	_ =	sdelay $0x3  }
0x37: {  	[smem:$0x3FB8] =	sst s10  }
0x38: {  	s10 =	sld [smem:$0x3FB9]  }
0x39: {  	_ = 	snop;
	(pc) =	sbr.ind lr, $3  }
0x3a: {  	_ = 	snop  }
0x3b: {  	_ = 	snop  }
0x3c: {  	p2 =	seq.s32 s10, $0x1;
	s10 =	sld [smem:$0x3FB8]  }
0x3d: {  	_ =	shalt  }
0x3e: {  	_ =	shalt  }
0x3f: {  	_ =	shalt  }
0x40: {  	_ =	shalt  }
0x41: {  	_ =	shalt  }
0x42: {  	_ =	shalt  }
0x43: {  	_ =	shalt  }
0x44: {  	_ =	shalt  }
0x45: {  	_ =	shalt  }
0x46: {  	_ =	shalt  }
0x47: {  	_ =	shalt  }
0x48: {  	_ =	shalt  }
0x49: {  	_ =	shalt  }
0x4a: {  	_ =	shalt  }
0x4b: {  	_ =	shalt  }
0x4c: {  	_ =	shalt  }
0x4d: {  	_ =	shalt  }
0x4e: {  	_ =	shalt  }
0x4f: {  	_ =	shalt  }
0x50: {  	_ =	shalt  }
0x51: {  	_ =	shalt  }
0x52: {  	_ =	shalt  }
0x53: {  	_ =	shalt  }
0x54: {  	_ =	shalt  }
0x55: {  	_ =	shalt  }
0x56: {  	_ =	shalt  }
0x57: {  	_ =	shalt  }
0x58: {  	_ =	shalt  }
0x59: {  	_ =	shalt  }
0x5a: {  	_ =	shalt  }
0x5b: {  	_ =	shalt  }
0x5c: {  	_ =	shalt  }
0x5d: {  	_ =	shalt  }
0x5e: {  	_ =	shalt  }
0x5f: {  	_ =	shalt  }
0x60: {  	_ =	shalt  }
0x61: {  	_ =	shalt  }
0x62: {  	_ =	shalt  }
0x63: {  	_ =	shalt  }
0x64: {  	_ =	shalt  }
0x65: {  	_ =	shalt  }
0x66: {  	_ =	shalt  }
0x67: {  	_ =	shalt  }
0x68: {  	_ =	shalt  }
0x69: {  	_ =	shalt  }
0x6a: {  	_ =	shalt  }
0x6b: {  	_ =	shalt  }
0x6c: {  	_ =	shalt  }
0x6d: {  	_ =	shalt  }
0x6e: {  	_ =	shalt  }
0x6f: {  	_ =	shalt  }
0x70: {  	_ =	shalt  }
0x71: {  	_ =	shalt  }
0x72: {  	_ =	shalt  }
0x73: {  	_ =	shalt  }
0x74: {  	_ =	shalt  }
0x75: {  	_ =	shalt  }
0x76: {  	_ =	shalt  }
0x77: {  	_ =	shalt  }
0x78: {  	_ =	shalt  }
0x79: {  	_ =	shalt  }
0x7a: {  	_ =	shalt  }
0x7b: {  	_ =	shalt  }
0x7c: {  	_ =	shalt  }
0x7d: {  	_ =	shalt  }
0x7e: {  	_ =	shalt  }
0x7f: {  	_ =	shalt  }
0x80: {  	_ =	shalt  }
0x81: {  	_ =	shalt  }
0x82: {  	_ =	shalt  }
0x83: {  	_ =	shalt  }
0x84: {  	_ =	shalt  }
0x85: {  	_ =	shalt  }
0x86: {  	_ =	shalt  }
0x87: {  	_ =	shalt  }
.Lfunc_end0:
.L_simem_size_0:
called_computation_lowered:
.L_overlay_start_0:
0x88: {  	s2 =	sld [smem:$0x3FD9]  }
0x89: {  	s3 =	sld [smem:$0x3FFE];
	_ =	sdelay $0x1  }
0x8a: {  	s1 =	srdreg.scid  }
0x8b: {  	s0 =	sand.u32 $0x1, s1  }
0x8c: {  	s17 =	sshll.u32 s0, $0xA;
	s2 =	sadd.s32 s3, s2  }
0x8d: {  	s2 =	sadd.s32 s2, s17  }
0x8e: {  	[smem:$0x3FC4] =	sst s2  }
0x8f: {  	_ = 	snop  }
0x90: {  	s2 =	sld [smem:$0x3FC7]  }
0x91: {  	s18 =	sld [smem:$0x3FD0];
	(tm) =	ssettm $0x1  }
0x92: {  	s4 =	sld [smem:$0x3FFB];
	_ =	sdelay $0x3  }
0x93: {  	_ =	strace s4  }
0x94: {  	s4 =	sld [smem:$0x3FFC];
	_ =	sdelay $0x3  }
0x95: {  	_ =	strace s4  }
0x96: {  	s4 =	sld [smem:$0x3FFD];
	_ =	sdelay $0x3  }
0x97: {  	_ =	strace s4  }
0x98: {  	_ =	strace $0x8FFFFFFF  }
0x99: {  	s19 =	sld [smem:$0x3FDB];
	_ =	sdelay $0x1  }
0x9a: {  	s5 =	simm.s32 $_scs_section_size  }
0x9b: {  	s6 =	simm.s32 $_size__tile_overlayer_lowered;
	s7 =	simm.s32 $_tile_overlayer_lowered  }
0x9c: {  	s22 =	simm.s32 $0x1BFF;
	s21 =	sshll.u32 s7, $0x1;
	s4 =	sadd.s32 s5, s19  }
0x9d: {  	s8 =	simm.s32 $0x0;
	s20 =	sshll.u32 s6, $0x1;
	s6 =	sadd.s32 s21, s4  }
0x9e: {  	[timem:s8], [sflag:s22] =	dma.local [hbm:s6], s20  }
0x9f: {  	_ =	swait.ge [sflag:s22], s20  }
0xa0: {  	s5 =	ssub.s32 $0x0, s20;
	[sflag:s22] =	ssyncset.done $0x0  }
0xa1: {  	[sflag:s22] =	ssyncadd.s32 s5;
	_ =	sdelay $0x1  }
0xa2: {  	s23 =	simm.s32 $0x1B8B  }
0xa3: {  	_ =	swait.ge [sflag:s23], $0x1  }
0xa4: {  	[sflag:s23] =	ssyncset.done $0x0  }
0xa5: {  	s25 =	simm.s32 $0x1B8E;
	s24 =	sld [smem:$0x3FFE];
	[sflag:s23] =	ssyncadd.s32 $0xFFFFFFFF  }
0xa6: {  	s26 =	simm.s32 $execute0_lowered;
	[smem:$0x3FD2] =	sst s25  }
0xa7: {  	s6 =	sshll.u32 s26, $0x1;
	_ =	strace $0x80000046;
	[dreg:$0x1] =	wrdreg $0xFFFFFFFF  }
0xa8: {  	s28 =	simm.s32 $_size_execute0_lowered;
	s4 =	sadd.s32 s4, s6;
	[dreg:$0x0] =	wrdreg $0x0  }
0xa9: {  	s6 =	sshll.u32 s28, $0x1;
	[dreg:$0x2] =	wrdreg s4  }
0xaa: {  	[dreg:$0x3] =	wrdreg s6  }
0xab: {  	[dreg:$0x4] =	wrdreg $0xC0  }
0xac: {  	_ =	task [dreg:s8], $0x5FFFF  }
0xad: {  	[dreg:$0x1] =	wrdreg $0xFFFFFFFF  }
0xae: {  	[dreg:$0x0] =	wrdreg $0x60  }
0xaf: {  	[dreg:$0x2] =	wrdreg s24  }
0xb0: {  	[dreg:$0x3] =	wrdreg s2  }
0xb1: {  	[dreg:$0x4] =	wrdreg s18  }
0xb2: {  	[dreg:$0x5] =	wrdreg $0x9  }
0xb3: {  	_ =	task.clear_ibuf [dreg:s8], $0x6FFFF;
	_ =	strace $0x90000046  }
0xb4: {  	s29 =	simm.s32 $0x9;
	_ =	strace $0x80000048  }
0xb5: {  	_ =	swait.ge [sflag:s29], $0x1  }
0xb6: {  	[sflag:s29] =	ssyncadd.s32 $0xFFFFFFFF  }
0xb7: {  	_ =	strace $0x90000048  }
0xb8: {  	_ =	sfence  }
0xb9: {  	s30 =	sld [smem:$0x0];
	_ =	sdelay $0x2  }
0xba: {  	s31 =	sshll.u32 s1, $0xD;
	s1 =	sshrl.u32 s1, $0x2  }
0xbb: {  	s3 =	sand.u32 $0x4000, s31;
	s1 =	sadd.s32 s1, s30  }
0xbc: {  	s0 =	sor.u32 s3, s0;
	s1 =	sshll.u32 s1, $0x11  }
0xbd: {  	s0 =	sor.u32 s1, s0  }
0xbe: {  	s0 =	sadd.s32 $0x8F2B, s0  }
0xbf: {  	[sflag:s0] =	ssyncadd.remote.s32 $0x1  }
0xc0: {  	_ =	sfence.sel $0xFFFF  }
0xc1: {  	[dreg:$0x0] =	wrdreg $0xFFFFFFFF;
	(pc) =	sbr.abs _section_cstart, $3  }
0xc2: {  	[dreg:$0x1] =	wrdreg $0xFFFFFFFF  }
0xc3: {  	_ =	task.clear_ibuf [dreg:s8], $0x2FFFF;
	_ =	strace $0x9FFFFFFF  }
0xc4: {  	(tm) =	ssettm $0x7FFFFFFF  }
0xc5: {  	_ =	shalt  }
tec
execute0_lowered:
.L_overlay_start_1:
0x0: {  	(tag) =	ssettag $0x1  }
0x1: {  	s0 =	rddreg [dreg:$0x0]  }
0x2: {  	s1 =	srdreg.scid;
	s3 =	stileid.u32  }
0x3: {  	s2 =	rddreg [dreg:$0x1];
	s16 =	simm.s32 $0x1400;
	s15 =	simm.s32 $0x9C00  }
0x4: {  	s13 =	simm.s32 $0xB400;
	s14 =	simm.s32 $0xBC00;
	s17 =	simm.s32 $0xC400  }
0x5: {  	s18 =	simm.s32 $0xCC00;
	s19 =	simm.s32 $0x3;
	s20 =	simm.s32 $0xD400  }
0x6: {  	s21 =	simm.s32 $0x2;
	s22 =	simm.s32 $0x4;
	s24 =	simm.s32 $0x0  }
0x7: {  	s1 =	sand.u32 $0x1, s1;
	s4 =	sshll.u32 s3, $0x1;
	s3 =	rddreg [dreg:$0x2]  }
0x8: {  	s10 =	sadd.s32 $0x200, s2;
	s11 =	sadd.s32 $0x5500, s0;
	s12 =	sadd.s32 $0x5600, s0  }
0x9: {  	s7 =	sor.u32 s1, s4;
	s4 =	simm.s32 $0x0;
	s1 =	ssub.s32 $0x2, s1  }
0xa: {  	s5 =	smul.u32 $0x9A0, s7;
	[smem:$0x7FF] =	sst s4;
	s8 =	sshrl.u32 s1, $0x1  }
0xb: {  	s23 =	smul.u32 $0x4D, s7;
	s7 =	simm.s32 $0xA400;
	_ =	strace $0x80000047  }
.Ltmp0:
0xc: {  	s1 =	ssub.s32 s1, s8;
	s6 =	sshrl.u32 s5, $0x3;
	(pc) =	sbr.rel .LBB2_1-.Ltmp0, $4  }
0xd: {  	s8 =	simm.s32 $0xAC00;
	s31 =	smax.u32 s1, $0x1;
	s9 =	sadd.s32 s6, s0  }
0xe: {  	v3 =	vlaneseq.u32;
	v0 =	vmov s23;
	s23 =	simm.s32 $0x1;
	[dreg:$0x6] =	wrdreg s31;
	s29 =	sadd.s32 $0x400, s9  }
0xf: {  	vm0 =	vmmov $0xffff;
	v2 =	vshrl.u32 v3, $0x3;
	s6 =	sadd.s32 $0x5400, s0;
	s30 =	sadd.s32 $0x2C00, s9;
	[dreg:$0x4] =	wrdreg s29  }
0x10: {  	v1 =	vand.u32 $0x7, v3;
	v3 =	vor.u32 $0x8, v3;
	v2 =	vmul.u32 $0x8, v2;
	s0 =	simm.s32 $0x9400;
	s9 =	sadd.s32 $0x100, s2;
	[dreg:$0x5] =	wrdreg s30  }
.LBB2_18:
0x11: {  	_ =	swait.ge [sflag:s21], $0x6000  }
0x12: {  	[sflag:s21] =	ssyncset.done $0x0  }
0x13: {  	[sflag:s21] =	ssyncadd.s32 $0xFFFFA000  }
0x14: {  	_ =	swait.ge [sflag:s22], $0x6000  }
0x15: {  	s24 =	sadd.s32 $0x1, s24;
	s1 =	rddreg [dreg:$0x6]  }
0x16: {  	p0 =	sne.s32 s24, s1  }
.Ltmp1:
0x17: {  	_ = 	snop;
	(pc) =	sbr.rel @!p0 .LBB2_19-.Ltmp1, $3  }
0x18: {  	_ =	sdelay $0x1  }
0x19: {  	[sflag:s22] =	ssyncset.done $0x0  }
0x1a: {  	[sflag:s22] =	ssyncadd.s32 $0xFFFFA000  }
.LBB2_1:
0x1b: {  	s1 =	rddreg [dreg:$0x4];
	s25 =	simm.s32 $0x5  }
0x1c: {  	[tilespmem:s4], [sflag:$0x5] =	stream.linear.gather [hbm4b:s1+s4], $0x9A0, $0x38;
	[tilespmem:$0x19400] =	vst v63  }
0x1d: {  	_ =	swait.ge [sflag:s25], $0x9A0  }
0x1e: {  	[sflag:s25] =	ssyncset.done $0x0  }
0x1f: {  	s26 =	simm.s32 $0xA00;
	s31 =	rddreg [dreg:$0x5];
	[sflag:s25] =	ssyncadd.s32 $0xFFFFF660  }
0x20: {  	[tilespmem:s26], [sflag:$0x5] =	stream.linear.gather [hbm4b:s31+s4], $0x9A0, $0x38;
	[tilespmem:$0x19400] =	vst v63  }
0x21: {  	_ =	swait.ge [sflag:s25], $0x9A0  }
0x22: {  	[sflag:s25] =	ssyncset.done $0x0  }
0x23: {  	s26 =	simm.s32 $0x40;
	[sflag:s25] =	ssyncadd.s32 $0xFFFFF660;
	s25 =	simm.s32 $0x0  }
.LBB2_2:
0x24: {  	p0 =	sne.s32 s26, $0x2640;
	v4 =	vld [tilespmem:s25+$0xA00];
	_ =	sdelay $0x1  }
.Ltmp2:
0x25: {  	(pc) =	sbr.rel @p0 .LBB2_2-.Ltmp2, $3  }
0x26: {  	_ =	sdelay $0x1  }
0x27: {  	v4 =	vadd.s32 v0, v4  }
0x28: {  	[tilespmem:s25+$0xA00] =	vst v4;
	s25 =	sshra.s32 s26, $0x2;
	s26 =	sadd.s32 $0x40, s26  }
0x29: {  	v4 =	vld [tilespmem:s25+$0xA00];
	_ =	sdelay $0x4  }
0x2a: {  	v4 =	vadd.s32 v0, v4  }
0x2b: {  	[tilespmem:s25+$0xA00] =	vst v4  }
0x2c: {  	v4 =	vld [tilespmem:$0x0];
	_ =	sdelay $0x4  }
0x2d: {  	v5 =	vshrl.u32 v4, $0x3  }
0x2e: {  	v5 =	vmul.u32 $0x30, v5  }
0x2f: {  	v4 =	vand.u32 $0x7, v4  }
0x30: {  	v4 =	vor.u32 v4, v5  }
0x31: {  	v5 =	vperm.xlane v4, v1;
	_ =	sdelay $0x1  }
0x32: {  	v5 =	vadd.s32 v2, v5;
	_ =	sdelay $0x3  }
0x33: {  	s25 =	simm.s32 $0x0;
	v4 =	vperm.xlane v4, v3  }
0x34: {  	[tilespmem:s16], [sflag:$0x1] =	stream.indirect_vreg.gather [hbm4b:s2+s25], $0x80, v5, vm0, $0xb8;
	[tilespmem:$0x19400] =	vst v63  }
0x35: {  	s1 =	simm.s32 $0x1C00;
	v4 =	vadd.s32 v2, v4  }
0x36: {  	[tilespmem:s1], [sflag:$0x1] =	stream.indirect_vreg.gather [hbm4b:s9+s25], $0x80, v5, vm0, $0xb8;
	[tilespmem:$0x19400] =	vst v63  }
0x37: {  	s28 =	simm.s32 $0x2400  }
0x38: {  	[tilespmem:s28], [sflag:$0x1] =	stream.indirect_vreg.gather [hbm4b:s10+s25], $0x80, v5, vm0, $0xb8;
	[tilespmem:$0x19400] =	vst v63  }
0x39: {  	s29 =	simm.s32 $0x2C00  }
0x3a: {  	[tilespmem:s29], [sflag:$0x1] =	stream.indirect_vreg.gather [hbm4b:s2+s25], $0x80, v4, vm0, $0xb8;
	[tilespmem:$0x19400] =	vst v63  }
0x3b: {  	s30 =	simm.s32 $0x3400  }
0x3c: {  	[tilespmem:s30], [sflag:$0x1] =	stream.indirect_vreg.gather [hbm4b:s9+s25], $0x80, v4, vm0, $0xb8;
	[tilespmem:$0x19400] =	vst v63  }
0x3d: {  	s31 =	simm.s32 $0x3C00  }
0x3e: {  	[tilespmem:s31], [sflag:$0x1] =	stream.indirect_vreg.gather [hbm4b:s10+s25], $0x80, v4, vm0, $0xb8;
	[tilespmem:$0x19400] =	vst v63  }
0x3f: {  	v4 =	vld [tilespmem:$0x10];
	_ =	sdelay $0x4  }
0x40: {  	v5 =	vshrl.u32 v4, $0x3  }
0x41: {  	v5 =	vmul.u32 $0x30, v5  }
0x42: {  	v4 =	vand.u32 $0x7, v4  }
0x43: {  	v4 =	vor.u32 v4, v5  }
0x44: {  	v5 =	vperm.xlane v4, v1;
	_ =	sdelay $0x1  }
0x45: {  	v5 =	vadd.s32 v2, v5;
	_ =	sdelay $0x3  }
0x46: {  	s26 =	simm.s32 $0x4400;
	v4 =	vperm.xlane v4, v3  }
0x47: {  	[tilespmem:s26], [sflag:$0x1] =	stream.indirect_vreg.gather [hbm4b:s2+s25], $0x80, v5, vm0, $0xb8;
	[tilespmem:$0x19400] =	vst v63  }
0x48: {  	s28 =	simm.s32 $0x4C00;
	v4 =	vadd.s32 v2, v4  }
0x49: {  	[tilespmem:s28], [sflag:$0x1] =	stream.indirect_vreg.gather [hbm4b:s9+s25], $0x80, v5, vm0, $0xb8;
	[tilespmem:$0x19400] =	vst v63  }
0x4a: {  	s29 =	simm.s32 $0x5400  }
0x4b: {  	[tilespmem:s29], [sflag:$0x1] =	stream.indirect_vreg.gather [hbm4b:s10+s25], $0x80, v5, vm0, $0xb8;
	[tilespmem:$0x19400] =	vst v63  }
0x4c: {  	s30 =	simm.s32 $0x5C00  }
0x4d: {  	[tilespmem:s30], [sflag:$0x1] =	stream.indirect_vreg.gather [hbm4b:s2+s25], $0x80, v4, vm0, $0xb8;
	[tilespmem:$0x19400] =	vst v63  }
0x4e: {  	s31 =	simm.s32 $0x6400  }
0x4f: {  	[tilespmem:s31], [sflag:$0x1] =	stream.indirect_vreg.gather [hbm4b:s9+s25], $0x80, v4, vm0, $0xb8;
	[tilespmem:$0x19400] =	vst v63  }
0x50: {  	s26 =	simm.s32 $0x6C00  }
0x51: {  	[tilespmem:s26], [sflag:$0x1] =	stream.indirect_vreg.gather [hbm4b:s10+s25], $0x80, v4, vm0, $0xb8;
	[tilespmem:$0x19400] =	vst v63  }
0x52: {  	v4 =	vld [tilespmem:$0xA00];
	_ =	sdelay $0x4  }
0x53: {  	v5 =	vshrl.u32 v4, $0x3  }
0x54: {  	v5 =	vmul.u32 $0x30, v5  }
0x55: {  	v4 =	vand.u32 $0x7, v4  }
0x56: {  	v4 =	vor.u32 v4, v5  }
0x57: {  	v5 =	vperm.xlane v4, v1;
	_ =	sdelay $0x1  }
0x58: {  	v5 =	vadd.s32 v2, v5;
	_ =	sdelay $0x3  }
0x59: {  	s28 =	simm.s32 $0x7400;
	v4 =	vperm.xlane v4, v3  }
0x5a: {  	[tilespmem:s28], [sflag:$0x1] =	stream.indirect_vreg.gather [hbm4b:s6+s25], $0x80, v5, vm0, $0xb8;
	[tilespmem:$0x19400] =	vst v63  }
0x5b: {  	s29 =	simm.s32 $0x7C00;
	v4 =	vadd.s32 v2, v4  }
0x5c: {  	[tilespmem:s29], [sflag:$0x1] =	stream.indirect_vreg.gather [hbm4b:s11+s25], $0x80, v5, vm0, $0xb8;
	[tilespmem:$0x19400] =	vst v63  }
0x5d: {  	s30 =	simm.s32 $0x8400  }
0x5e: {  	[tilespmem:s30], [sflag:$0x1] =	stream.indirect_vreg.gather [hbm4b:s12+s25], $0x80, v5, vm0, $0xb8;
	[tilespmem:$0x19400] =	vst v63  }
0x5f: {  	s31 =	simm.s32 $0x8C00  }
0x60: {  	[tilespmem:s31], [sflag:$0x1] =	stream.indirect_vreg.gather [hbm4b:s6+s25], $0x80, v4, vm0, $0xb8;
	[tilespmem:$0x19400] =	vst v63  }
0x61: {  	_ = 	snop  }
0x62: {  	[tilespmem:s0], [sflag:$0x1] =	stream.indirect_vreg.gather [hbm4b:s11+s25], $0x80, v4, vm0, $0xb8;
	[tilespmem:$0x19400] =	vst v63  }
0x63: {  	_ = 	snop  }
0x64: {  	[tilespmem:s15], [sflag:$0x1] =	stream.indirect_vreg.gather [hbm4b:s12+s25], $0x80, v4, vm0, $0xb8;
	[tilespmem:$0x19400] =	vst v63  }
0x65: {  	v4 =	vld [tilespmem:$0xA10];
	_ =	sdelay $0x4  }
0x66: {  	v5 =	vshrl.u32 v4, $0x3  }
0x67: {  	v5 =	vmul.u32 $0x30, v5  }
0x68: {  	v4 =	vand.u32 $0x7, v4  }
0x69: {  	v4 =	vor.u32 v4, v5  }
0x6a: {  	v5 =	vperm.xlane v4, v1;
	_ =	sdelay $0x1  }
0x6b: {  	v5 =	vadd.s32 v2, v5;
	_ =	sdelay $0x3  }
0x6c: {  	v4 =	vperm.xlane v4, v3  }
0x6d: {  	[tilespmem:s7], [sflag:$0x1] =	stream.indirect_vreg.gather [hbm4b:s6+s25], $0x80, v5, vm0, $0xb8;
	[tilespmem:$0x19400] =	vst v63  }
0x6e: {  	v4 =	vadd.s32 v2, v4  }
0x6f: {  	[tilespmem:s8], [sflag:$0x1] =	stream.indirect_vreg.gather [hbm4b:s11+s25], $0x80, v5, vm0, $0xb8;
	[tilespmem:$0x19400] =	vst v63  }
0x70: {  	_ = 	snop  }
0x71: {  	[tilespmem:s13], [sflag:$0x1] =	stream.indirect_vreg.gather [hbm4b:s12+s25], $0x80, v5, vm0, $0xb8;
	[tilespmem:$0x19400] =	vst v63  }
0x72: {  	_ = 	snop  }
0x73: {  	[tilespmem:s14], [sflag:$0x1] =	stream.indirect_vreg.gather [hbm4b:s6+s25], $0x80, v4, vm0, $0xb8;
	[tilespmem:$0x19400] =	vst v63  }
.Ltmp3:
0x74: {  	_ = 	snop;
	(pc) =	sbr.rel .LBB2_4-.Ltmp3, $4  }
0x75: {  	_ = 	snop  }
0x76: {  	[tilespmem:s17], [sflag:$0x1] =	stream.indirect_vreg.gather [hbm4b:s11+s25], $0x80, v4, vm0, $0xb8;
	[tilespmem:$0x19400] =	vst v63  }
0x77: {  	_ = 	snop  }
0x78: {  	[tilespmem:s18], [sflag:$0x1] =	stream.indirect_vreg.gather [hbm4b:s12+s25], $0x80, v4, vm0, $0xb8;
	[tilespmem:$0x19400] =	vst v63  }
.LBB2_17:
0x79: {  	s25 =	sadd.s32 $0x1, s25  }
0x7a: {  	p0 =	sne.s32 s25, $0x4D  }
.Ltmp4:
0x7b: {  	_ = 	snop;
	(pc) =	sbr.rel @!p0 .LBB2_18-.Ltmp4, $1  }
0x7c: {  	_ =	sdelay $0x3  }
.LBB2_4:
0x7d: {  	s26 =	sand.u32 $0x1, s25  }
0x7e: {  	p0 =	seq.s32 s26, $0x1  }
.Ltmp5:
0x7f: {  	_ = 	snop;
	(pc) =	sbr.rel @p0 .LBB2_12-.Ltmp5, $1  }
0x80: {  	_ =	sdelay $0x3  }
0x81: {  	p0 =	seq.s32 s25, $0x0  }
.Ltmp6:
0x82: {  	_ = 	snop;
	(pc) =	sbr.rel @p0 .LBB2_8-.Ltmp6, $1  }
0x83: {  	_ =	sdelay $0x3  }
0x84: {  	p0 =	seq.s32 s25, $0x4C  }
.Ltmp7:
0x85: {  	_ = 	snop;
	(pc) =	sbr.rel @p0 .LBB2_9-.Ltmp7, $1  }
0x86: {  	_ =	sdelay $0x3  }
0x87: {  	_ =	swait.ge [sflag:s22], $0x6000  }
0x88: {  	[sflag:s22] =	ssyncset.done $0x0  }
0x89: {  	[sflag:s22] =	ssyncadd.s32 $0xFFFFA000  }
.LBB2_8:
0x8a: {  	s28 =	sshll.u32 s25, $0x5  }
0x8b: {  	s29 =	sor.u32 $0x20, s28  }
0x8c: {  	v4 =	vld [tilespmem:s29+$0x0];
	_ =	sdelay $0x4  }
0x8d: {  	v5 =	vshrl.u32 v4, $0x3  }
0x8e: {  	v5 =	vmul.u32 $0x30, v5  }
0x8f: {  	v4 =	vand.u32 $0x7, v4  }
0x90: {  	v4 =	vor.u32 v4, v5  }
0x91: {  	v5 =	vperm.xlane v4, v1;
	_ =	sdelay $0x1  }
0x92: {  	v5 =	vadd.s32 v2, v5;
	_ =	sdelay $0x3  }
0x93: {  	v4 =	vperm.xlane v4, v3  }
0x94: {  	[tilespmem:s20], [sflag:$0x3] =	stream.indirect_vreg.gather [hbm4b:s2+s4], $0x80, v5, vm0, $0xb8;
	[tilespmem:$0x19400] =	vst v63  }
0x95: {  	s1 =	simm.s32 $0xDC00;
	v4 =	vadd.s32 v2, v4  }
0x96: {  	[tilespmem:s1], [sflag:$0x3] =	stream.indirect_vreg.gather [hbm4b:s9+s4], $0x80, v5, vm0, $0xb8;
	[tilespmem:$0x19400] =	vst v63  }
0x97: {  	s31 =	simm.s32 $0xE400  }
0x98: {  	[tilespmem:s31], [sflag:$0x3] =	stream.indirect_vreg.gather [hbm4b:s10+s4], $0x80, v5, vm0, $0xb8;
	[tilespmem:$0x19400] =	vst v63  }
0x99: {  	s29 =	simm.s32 $0xEC00  }
0x9a: {  	[tilespmem:s29], [sflag:$0x3] =	stream.indirect_vreg.gather [hbm4b:s2+s4], $0x80, v4, vm0, $0xb8;
	[tilespmem:$0x19400] =	vst v63  }
0x9b: {  	s30 =	simm.s32 $0xF400  }
0x9c: {  	[tilespmem:s30], [sflag:$0x3] =	stream.indirect_vreg.gather [hbm4b:s9+s4], $0x80, v4, vm0, $0xb8;
	[tilespmem:$0x19400] =	vst v63  }
0x9d: {  	s1 =	sor.u32 $0x30, s28;
	s31 =	simm.s32 $0xFC00  }
0x9e: {  	[tilespmem:s31], [sflag:$0x3] =	stream.indirect_vreg.gather [hbm4b:s10+s4], $0x80, v4, vm0, $0xb8;
	[tilespmem:$0x19400] =	vst v63  }
0x9f: {  	v4 =	vld [tilespmem:s1+$0x0];
	_ =	sdelay $0x4  }
0xa0: {  	v5 =	vshrl.u32 v4, $0x3  }
0xa1: {  	v5 =	vmul.u32 $0x30, v5  }
0xa2: {  	v4 =	vand.u32 $0x7, v4  }
0xa3: {  	v4 =	vor.u32 v4, v5  }
0xa4: {  	v5 =	vperm.xlane v4, v1;
	_ =	sdelay $0x1  }
0xa5: {  	v5 =	vadd.s32 v2, v5;
	_ =	sdelay $0x3  }
0xa6: {  	s30 =	simm.s32 $0x10400;
	v4 =	vperm.xlane v4, v3  }
0xa7: {  	[tilespmem:s30], [sflag:$0x3] =	stream.indirect_vreg.gather [hbm4b:s2+s4], $0x80, v5, vm0, $0xb8;
	[tilespmem:$0x19400] =	vst v63  }
0xa8: {  	s31 =	simm.s32 $0x10C00;
	v4 =	vadd.s32 v2, v4  }
0xa9: {  	[tilespmem:s31], [sflag:$0x3] =	stream.indirect_vreg.gather [hbm4b:s9+s4], $0x80, v5, vm0, $0xb8;
	[tilespmem:$0x19400] =	vst v63  }
0xaa: {  	s29 =	simm.s32 $0x11400  }
0xab: {  	[tilespmem:s29], [sflag:$0x3] =	stream.indirect_vreg.gather [hbm4b:s10+s4], $0x80, v5, vm0, $0xb8;
	[tilespmem:$0x19400] =	vst v63  }
0xac: {  	s30 =	simm.s32 $0x11C00  }
0xad: {  	[tilespmem:s30], [sflag:$0x3] =	stream.indirect_vreg.gather [hbm4b:s2+s4], $0x80, v4, vm0, $0xb8;
	[tilespmem:$0x19400] =	vst v63  }
0xae: {  	s31 =	simm.s32 $0x12400  }
0xaf: {  	[tilespmem:s31], [sflag:$0x3] =	stream.indirect_vreg.gather [hbm4b:s9+s4], $0x80, v4, vm0, $0xb8;
	[tilespmem:$0x19400] =	vst v63  }
0xb0: {  	s29 =	simm.s32 $0x12C00  }
0xb1: {  	[tilespmem:s29], [sflag:$0x3] =	stream.indirect_vreg.gather [hbm4b:s10+s4], $0x80, v4, vm0, $0xb8;
	[tilespmem:$0x19400] =	vst v63  }
0xb2: {  	v4 =	vld [tilespmem:s28+$0xA20];
	_ =	sdelay $0x4  }
0xb3: {  	v5 =	vshrl.u32 v4, $0x3  }
0xb4: {  	v5 =	vmul.u32 $0x30, v5  }
0xb5: {  	v4 =	vand.u32 $0x7, v4  }
0xb6: {  	v4 =	vor.u32 v4, v5  }
0xb7: {  	v5 =	vperm.xlane v4, v1;
	_ =	sdelay $0x1  }
0xb8: {  	v5 =	vadd.s32 v2, v5;
	_ =	sdelay $0x3  }
0xb9: {  	s30 =	simm.s32 $0x13400;
	v4 =	vperm.xlane v4, v3  }
0xba: {  	[tilespmem:s30], [sflag:$0x3] =	stream.indirect_vreg.gather [hbm4b:s6+s4], $0x80, v5, vm0, $0xb8;
	[tilespmem:$0x19400] =	vst v63  }
0xbb: {  	s31 =	simm.s32 $0x13C00;
	v4 =	vadd.s32 v2, v4  }
0xbc: {  	[tilespmem:s31], [sflag:$0x3] =	stream.indirect_vreg.gather [hbm4b:s11+s4], $0x80, v5, vm0, $0xb8;
	[tilespmem:$0x19400] =	vst v63  }
0xbd: {  	s29 =	simm.s32 $0x14400  }
0xbe: {  	[tilespmem:s29], [sflag:$0x3] =	stream.indirect_vreg.gather [hbm4b:s12+s4], $0x80, v5, vm0, $0xb8;
	[tilespmem:$0x19400] =	vst v63  }
0xbf: {  	s30 =	simm.s32 $0x14C00  }
0xc0: {  	[tilespmem:s30], [sflag:$0x3] =	stream.indirect_vreg.gather [hbm4b:s6+s4], $0x80, v4, vm0, $0xb8;
	[tilespmem:$0x19400] =	vst v63  }
0xc1: {  	s31 =	simm.s32 $0x15400  }
0xc2: {  	[tilespmem:s31], [sflag:$0x3] =	stream.indirect_vreg.gather [hbm4b:s11+s4], $0x80, v4, vm0, $0xb8;
	[tilespmem:$0x19400] =	vst v63  }
0xc3: {  	s29 =	simm.s32 $0x15C00  }
0xc4: {  	[tilespmem:s29], [sflag:$0x3] =	stream.indirect_vreg.gather [hbm4b:s12+s4], $0x80, v4, vm0, $0xb8;
	[tilespmem:$0x19400] =	vst v63  }
0xc5: {  	v4 =	vld [tilespmem:s28+$0xA30];
	_ =	sdelay $0x4  }
0xc6: {  	v5 =	vshrl.u32 v4, $0x3  }
0xc7: {  	v5 =	vmul.u32 $0x30, v5  }
0xc8: {  	v4 =	vand.u32 $0x7, v4  }
0xc9: {  	v4 =	vor.u32 v4, v5  }
0xca: {  	v5 =	vperm.xlane v4, v1;
	_ =	sdelay $0x1  }
0xcb: {  	v5 =	vadd.s32 v2, v5;
	_ =	sdelay $0x3  }
0xcc: {  	s30 =	simm.s32 $0x16400;
	v4 =	vperm.xlane v4, v3  }
0xcd: {  	[tilespmem:s30], [sflag:$0x3] =	stream.indirect_vreg.gather [hbm4b:s6+s4], $0x80, v5, vm0, $0xb8;
	[tilespmem:$0x19400] =	vst v63  }
0xce: {  	s31 =	simm.s32 $0x16C00;
	v4 =	vadd.s32 v2, v4  }
0xcf: {  	[tilespmem:s31], [sflag:$0x3] =	stream.indirect_vreg.gather [hbm4b:s11+s4], $0x80, v5, vm0, $0xb8;
	[tilespmem:$0x19400] =	vst v63  }
0xd0: {  	s28 =	simm.s32 $0x17400  }
0xd1: {  	[tilespmem:s28], [sflag:$0x3] =	stream.indirect_vreg.gather [hbm4b:s12+s4], $0x80, v5, vm0, $0xb8;
	[tilespmem:$0x19400] =	vst v63  }
0xd2: {  	s29 =	simm.s32 $0x17C00  }
0xd3: {  	[tilespmem:s29], [sflag:$0x3] =	stream.indirect_vreg.gather [hbm4b:s6+s4], $0x80, v4, vm0, $0xb8;
	[tilespmem:$0x19400] =	vst v63  }
0xd4: {  	s30 =	simm.s32 $0x18400  }
0xd5: {  	[tilespmem:s30], [sflag:$0x3] =	stream.indirect_vreg.gather [hbm4b:s11+s4], $0x80, v4, vm0, $0xb8;
	[tilespmem:$0x19400] =	vst v63  }
0xd6: {  	s31 =	simm.s32 $0x18C00  }
0xd7: {  	[tilespmem:s31], [sflag:$0x3] =	stream.indirect_vreg.gather [hbm4b:s12+s4], $0x80, v4, vm0, $0xb8;
	[tilespmem:$0x19400] =	vst v63  }
.LBB2_9:
0xd8: {  	_ =	swait.ge [sflag:s23], $0x6000  }
0xd9: {  	[sflag:s23] =	ssyncset.done $0x0  }
0xda: {  	s29 =	simm.s32 $0x0;
	[sflag:s23] =	ssyncadd.s32 $0xFFFFA000  }
0xdb: {  	s28 =	simm.s32 $0x0;
	s29 =	smul.u32 $0x1800, s29;
	_ =	swait.ge [sflag:s23], $0x6000  }
0xdc: {  	s30 =	sand.u32 $0x380, s28;
	[sflag:s23] =	ssyncset.done $0x0  }
0xdd: {  	s29 =	sor.u32 s30, s29;
	[sflag:s23] =	ssyncadd.s32 $0xFFFFA000  }
0xde: {  	v4 =	vld [tilespmem:s29+$0x8870]  }
0xdf: {  	v7 =	vld [tilespmem:s29+$0x7400]  }
0xe0: {  	v8 =	vld [tilespmem:s29+$0x7410]  }
0xe1: {  	v9 =	vld [tilespmem:s29+$0x7420]  }
0xe2: {  	v10 =	vld [tilespmem:s29+$0x7430]  }
0xe3: {  	v11 =	vld [tilespmem:s29+$0x7440]  }
0xe4: {  	v12 =	vld [tilespmem:s29+$0x7450]  }
0xe5: {  	v13 =	vld [tilespmem:s29+$0x7460]  }
0xe6: {  	v14 =	vld [tilespmem:s29+$0x7470]  }
0xe7: {  	v15 =	vld [tilespmem:s29+$0x7800]  }
0xe8: {  	v16 =	vld [tilespmem:s29+$0x7810]  }
0xe9: {  	v17 =	vld [tilespmem:s29+$0x7820]  }
0xea: {  	v18 =	vld [tilespmem:s29+$0x7830]  }
0xeb: {  	v19 =	vld [tilespmem:s29+$0x7840]  }
0xec: {  	v20 =	vld [tilespmem:s29+$0x7850]  }
0xed: {  	v21 =	vld [tilespmem:s29+$0x7860]  }
0xee: {  	v22 =	vld [tilespmem:s29+$0x7870]  }
0xef: {  	v23 =	vld [tilespmem:s29+$0x7C00]  }
0xf0: {  	v24 =	vld [tilespmem:s29+$0x7C10]  }
0xf1: {  	v25 =	vld [tilespmem:s29+$0x7C20]  }
0xf2: {  	v26 =	vld [tilespmem:s29+$0x7C30]  }
0xf3: {  	v27 =	vld [tilespmem:s29+$0x7C40]  }
0xf4: {  	v28 =	vld [tilespmem:s29+$0x7C50]  }
0xf5: {  	v29 =	vld [tilespmem:s29+$0x7C60]  }
0xf6: {  	v30 =	vld [tilespmem:s29+$0x7C70]  }
0xf7: {  	v31 =	vld [tilespmem:s29+$0x8000]  }
0xf8: {  	v32 =	vld [tilespmem:s29+$0x8010]  }
0xf9: {  	v33 =	vld [tilespmem:s29+$0x8020]  }
0xfa: {  	v34 =	vld [tilespmem:s29+$0x8030]  }
0xfb: {  	v35 =	vld [tilespmem:s29+$0x8040]  }
0xfc: {  	v36 =	vld [tilespmem:s29+$0x8050]  }
0xfd: {  	v37 =	vld [tilespmem:s29+$0x8060]  }
0xfe: {  	v38 =	vld [tilespmem:s29+$0x8070]  }
0xff: {  	v39 =	vld [tilespmem:s29+$0x8400]  }
0x100: {  	v40 =	vld [tilespmem:s29+$0x8410]  }
0x101: {  	v41 =	vld [tilespmem:s29+$0x8420]  }
0x102: {  	v42 =	vld [tilespmem:s29+$0x8430]  }
0x103: {  	v43 =	vld [tilespmem:s29+$0x8440]  }
0x104: {  	v44 =	vld [tilespmem:s29+$0x8450]  }
0x105: {  	v45 =	vld [tilespmem:s29+$0x8460]  }
0x106: {  	v46 =	vld [tilespmem:s29+$0x8470]  }
0x107: {  	v47 =	vld [tilespmem:s29+$0x8800]  }
0x108: {  	v48 =	vld [tilespmem:s29+$0x8810]  }
0x109: {  	v49 =	vld [tilespmem:s29+$0x8820]  }
0x10a: {  	v50 =	vld [tilespmem:s29+$0x8830]  }
0x10b: {  	v6 =	vld [tilespmem:s29+$0x8840]  }
0x10c: {  	v5 =	vld [tilespmem:s29+$0x8850]  }
0x10d: {  	[tilespmem:s29+$0x2870] =	vst.add.f32.msk $0xffff, v4  }
0x10e: {  	v4 =	vld [tilespmem:s29+$0x8860]  }
0x10f: {  	[tilespmem:s29+$0x1400] =	vst.add.f32.msk $0xffff, v7  }
0x110: {  	[tilespmem:s29+$0x1410] =	vst.add.f32.msk $0xffff, v8  }
0x111: {  	[tilespmem:s29+$0x1420] =	vst.add.f32.msk $0xffff, v9  }
0x112: {  	[tilespmem:s29+$0x1430] =	vst.add.f32.msk $0xffff, v10  }
0x113: {  	[tilespmem:s29+$0x1440] =	vst.add.f32.msk $0xffff, v11  }
0x114: {  	[tilespmem:s29+$0x1450] =	vst.add.f32.msk $0xffff, v12  }
0x115: {  	[tilespmem:s29+$0x1460] =	vst.add.f32.msk $0xffff, v13  }
0x116: {  	[tilespmem:s29+$0x1470] =	vst.add.f32.msk $0xffff, v14  }
0x117: {  	[tilespmem:s29+$0x1800] =	vst.add.f32.msk $0xffff, v15  }
0x118: {  	[tilespmem:s29+$0x1810] =	vst.add.f32.msk $0xffff, v16  }
0x119: {  	[tilespmem:s29+$0x1820] =	vst.add.f32.msk $0xffff, v17  }
0x11a: {  	[tilespmem:s29+$0x1830] =	vst.add.f32.msk $0xffff, v18  }
0x11b: {  	[tilespmem:s29+$0x1840] =	vst.add.f32.msk $0xffff, v19  }
0x11c: {  	[tilespmem:s29+$0x1850] =	vst.add.f32.msk $0xffff, v20  }
0x11d: {  	[tilespmem:s29+$0x1860] =	vst.add.f32.msk $0xffff, v21  }
0x11e: {  	[tilespmem:s29+$0x1870] =	vst.add.f32.msk $0xffff, v22  }
0x11f: {  	[tilespmem:s29+$0x1C00] =	vst.add.f32.msk $0xffff, v23  }
0x120: {  	[tilespmem:s29+$0x1C10] =	vst.add.f32.msk $0xffff, v24  }
0x121: {  	[tilespmem:s29+$0x1C20] =	vst.add.f32.msk $0xffff, v25  }
0x122: {  	[tilespmem:s29+$0x1C30] =	vst.add.f32.msk $0xffff, v26  }
0x123: {  	[tilespmem:s29+$0x1C40] =	vst.add.f32.msk $0xffff, v27  }
0x124: {  	[tilespmem:s29+$0x1C50] =	vst.add.f32.msk $0xffff, v28  }
0x125: {  	[tilespmem:s29+$0x1C60] =	vst.add.f32.msk $0xffff, v29  }
0x126: {  	[tilespmem:s29+$0x1C70] =	vst.add.f32.msk $0xffff, v30  }
0x127: {  	[tilespmem:s29+$0x2000] =	vst.add.f32.msk $0xffff, v31  }
0x128: {  	[tilespmem:s29+$0x2010] =	vst.add.f32.msk $0xffff, v32  }
0x129: {  	[tilespmem:s29+$0x2020] =	vst.add.f32.msk $0xffff, v33  }
0x12a: {  	[tilespmem:s29+$0x2030] =	vst.add.f32.msk $0xffff, v34  }
0x12b: {  	[tilespmem:s29+$0x2040] =	vst.add.f32.msk $0xffff, v35  }
0x12c: {  	[tilespmem:s29+$0x2050] =	vst.add.f32.msk $0xffff, v36  }
0x12d: {  	[tilespmem:s29+$0x2060] =	vst.add.f32.msk $0xffff, v37  }
0x12e: {  	[tilespmem:s29+$0x2070] =	vst.add.f32.msk $0xffff, v38  }
0x12f: {  	[tilespmem:s29+$0x2400] =	vst.add.f32.msk $0xffff, v39  }
0x130: {  	[tilespmem:s29+$0x2410] =	vst.add.f32.msk $0xffff, v40  }
0x131: {  	[tilespmem:s29+$0x2420] =	vst.add.f32.msk $0xffff, v41  }
0x132: {  	[tilespmem:s29+$0x2430] =	vst.add.f32.msk $0xffff, v42  }
0x133: {  	[tilespmem:s29+$0x2440] =	vst.add.f32.msk $0xffff, v43  }
0x134: {  	[tilespmem:s29+$0x2450] =	vst.add.f32.msk $0xffff, v44  }
0x135: {  	[tilespmem:s29+$0x2460] =	vst.add.f32.msk $0xffff, v45  }
0x136: {  	[tilespmem:s29+$0x2470] =	vst.add.f32.msk $0xffff, v46  }
0x137: {  	[tilespmem:s29+$0x2800] =	vst.add.f32.msk $0xffff, v47  }
0x138: {  	[tilespmem:s29+$0x2810] =	vst.add.f32.msk $0xffff, v48  }
0x139: {  	[tilespmem:s29+$0x2820] =	vst.add.f32.msk $0xffff, v49  }
0x13a: {  	s31 =	simm.s32 $0x0;
	s30 =	simm.s32 $0x2;
	[tilespmem:s29+$0x2830] =	vst.add.f32.msk $0xffff, v50  }
.LBB2_10:
0x13b: {  	p0 =	sne.s32 s30, $0x1F;
	s31 =	smul.u32 $0x1800, s31;
	[tilespmem:s29+$0x2840] =	vst.add.f32.msk $0xffff, v6;
	s28 =	sadd.s32 $0x80, s28  }
0x13c: {  	s1 =	sand.u32 $0x380, s28;
	[tilespmem:s29+$0x2850] =	vst.add.f32.msk $0xffff, v5  }
0x13d: {  	[tilespmem:s29+$0x2860] =	vst.add.f32.msk $0xffff, v4;
	s29 =	sor.u32 s1, s31  }
0x13e: {  	v4 =	vld [tilespmem:s29+$0x8870]  }
0x13f: {  	v7 =	vld [tilespmem:s29+$0x7400]  }
0x140: {  	v8 =	vld [tilespmem:s29+$0x7410]  }
0x141: {  	v9 =	vld [tilespmem:s29+$0x7420]  }
0x142: {  	v10 =	vld [tilespmem:s29+$0x7430]  }
0x143: {  	[tilespmem:s29+$0x2870] =	vst.add.f32.msk $0xffff, v4  }
0x144: {  	v11 =	vld [tilespmem:s29+$0x7440]  }
0x145: {  	v12 =	vld [tilespmem:s29+$0x7450]  }
0x146: {  	v13 =	vld [tilespmem:s29+$0x7460]  }
0x147: {  	v14 =	vld [tilespmem:s29+$0x7470]  }
0x148: {  	v15 =	vld [tilespmem:s29+$0x7800]  }
0x149: {  	v16 =	vld [tilespmem:s29+$0x7810]  }
0x14a: {  	v17 =	vld [tilespmem:s29+$0x7820]  }
0x14b: {  	v18 =	vld [tilespmem:s29+$0x7830]  }
0x14c: {  	v19 =	vld [tilespmem:s29+$0x7840]  }
0x14d: {  	v20 =	vld [tilespmem:s29+$0x7850]  }
0x14e: {  	v21 =	vld [tilespmem:s29+$0x7860]  }
0x14f: {  	v22 =	vld [tilespmem:s29+$0x7870]  }
0x150: {  	v23 =	vld [tilespmem:s29+$0x7C00]  }
0x151: {  	v24 =	vld [tilespmem:s29+$0x7C10]  }
0x152: {  	v25 =	vld [tilespmem:s29+$0x7C20]  }
0x153: {  	v26 =	vld [tilespmem:s29+$0x7C30]  }
0x154: {  	v27 =	vld [tilespmem:s29+$0x7C40]  }
0x155: {  	v28 =	vld [tilespmem:s29+$0x7C50]  }
0x156: {  	v29 =	vld [tilespmem:s29+$0x7C60]  }
0x157: {  	v30 =	vld [tilespmem:s29+$0x7C70]  }
0x158: {  	v31 =	vld [tilespmem:s29+$0x8000]  }
0x159: {  	v32 =	vld [tilespmem:s29+$0x8010]  }
0x15a: {  	v33 =	vld [tilespmem:s29+$0x8020]  }
0x15b: {  	v34 =	vld [tilespmem:s29+$0x8030]  }
0x15c: {  	v35 =	vld [tilespmem:s29+$0x8040]  }
0x15d: {  	v36 =	vld [tilespmem:s29+$0x8050]  }
0x15e: {  	v37 =	vld [tilespmem:s29+$0x8060]  }
0x15f: {  	v38 =	vld [tilespmem:s29+$0x8070]  }
0x160: {  	v39 =	vld [tilespmem:s29+$0x8400]  }
0x161: {  	v40 =	vld [tilespmem:s29+$0x8410]  }
0x162: {  	v41 =	vld [tilespmem:s29+$0x8420]  }
0x163: {  	v42 =	vld [tilespmem:s29+$0x8430]  }
0x164: {  	v43 =	vld [tilespmem:s29+$0x8440]  }
0x165: {  	v44 =	vld [tilespmem:s29+$0x8450]  }
0x166: {  	v45 =	vld [tilespmem:s29+$0x8460]  }
0x167: {  	v46 =	vld [tilespmem:s29+$0x8470]  }
0x168: {  	v47 =	vld [tilespmem:s29+$0x8800]  }
0x169: {  	v48 =	vld [tilespmem:s29+$0x8810]  }
0x16a: {  	v49 =	vld [tilespmem:s29+$0x8820]  }
0x16b: {  	v50 =	vld [tilespmem:s29+$0x8830]  }
0x16c: {  	v6 =	vld [tilespmem:s29+$0x8840]  }
0x16d: {  	v5 =	vld [tilespmem:s29+$0x8850]  }
0x16e: {  	v4 =	vld [tilespmem:s29+$0x8860]  }
0x16f: {  	[tilespmem:s29+$0x1400] =	vst.add.f32.msk $0xffff, v7  }
0x170: {  	[tilespmem:s29+$0x1410] =	vst.add.f32.msk $0xffff, v8  }
0x171: {  	[tilespmem:s29+$0x1420] =	vst.add.f32.msk $0xffff, v9  }
0x172: {  	[tilespmem:s29+$0x1430] =	vst.add.f32.msk $0xffff, v10  }
0x173: {  	[tilespmem:s29+$0x1440] =	vst.add.f32.msk $0xffff, v11  }
0x174: {  	[tilespmem:s29+$0x1450] =	vst.add.f32.msk $0xffff, v12  }
0x175: {  	[tilespmem:s29+$0x1460] =	vst.add.f32.msk $0xffff, v13  }
0x176: {  	[tilespmem:s29+$0x1470] =	vst.add.f32.msk $0xffff, v14  }
0x177: {  	[tilespmem:s29+$0x1800] =	vst.add.f32.msk $0xffff, v15  }
0x178: {  	[tilespmem:s29+$0x1810] =	vst.add.f32.msk $0xffff, v16  }
0x179: {  	[tilespmem:s29+$0x1820] =	vst.add.f32.msk $0xffff, v17  }
0x17a: {  	[tilespmem:s29+$0x1830] =	vst.add.f32.msk $0xffff, v18  }
0x17b: {  	[tilespmem:s29+$0x1840] =	vst.add.f32.msk $0xffff, v19  }
0x17c: {  	[tilespmem:s29+$0x1850] =	vst.add.f32.msk $0xffff, v20  }
0x17d: {  	[tilespmem:s29+$0x1860] =	vst.add.f32.msk $0xffff, v21  }
0x17e: {  	[tilespmem:s29+$0x1870] =	vst.add.f32.msk $0xffff, v22  }
0x17f: {  	[tilespmem:s29+$0x1C00] =	vst.add.f32.msk $0xffff, v23  }
0x180: {  	[tilespmem:s29+$0x1C10] =	vst.add.f32.msk $0xffff, v24  }
0x181: {  	[tilespmem:s29+$0x1C20] =	vst.add.f32.msk $0xffff, v25  }
0x182: {  	[tilespmem:s29+$0x1C30] =	vst.add.f32.msk $0xffff, v26  }
0x183: {  	[tilespmem:s29+$0x1C40] =	vst.add.f32.msk $0xffff, v27  }
0x184: {  	[tilespmem:s29+$0x1C50] =	vst.add.f32.msk $0xffff, v28  }
0x185: {  	[tilespmem:s29+$0x1C60] =	vst.add.f32.msk $0xffff, v29  }
0x186: {  	[tilespmem:s29+$0x1C70] =	vst.add.f32.msk $0xffff, v30  }
0x187: {  	[tilespmem:s29+$0x2000] =	vst.add.f32.msk $0xffff, v31  }
0x188: {  	[tilespmem:s29+$0x2010] =	vst.add.f32.msk $0xffff, v32  }
0x189: {  	[tilespmem:s29+$0x2020] =	vst.add.f32.msk $0xffff, v33  }
0x18a: {  	[tilespmem:s29+$0x2030] =	vst.add.f32.msk $0xffff, v34  }
0x18b: {  	[tilespmem:s29+$0x2040] =	vst.add.f32.msk $0xffff, v35  }
0x18c: {  	[tilespmem:s29+$0x2050] =	vst.add.f32.msk $0xffff, v36  }
0x18d: {  	[tilespmem:s29+$0x2060] =	vst.add.f32.msk $0xffff, v37  }
0x18e: {  	[tilespmem:s29+$0x2070] =	vst.add.f32.msk $0xffff, v38  }
0x18f: {  	[tilespmem:s29+$0x2400] =	vst.add.f32.msk $0xffff, v39  }
0x190: {  	[tilespmem:s29+$0x2410] =	vst.add.f32.msk $0xffff, v40  }
0x191: {  	[tilespmem:s29+$0x2420] =	vst.add.f32.msk $0xffff, v41  }
0x192: {  	[tilespmem:s29+$0x2430] =	vst.add.f32.msk $0xffff, v42  }
0x193: {  	[tilespmem:s29+$0x2440] =	vst.add.f32.msk $0xffff, v43  }
0x194: {  	[tilespmem:s29+$0x2450] =	vst.add.f32.msk $0xffff, v44  }
0x195: {  	[tilespmem:s29+$0x2460] =	vst.add.f32.msk $0xffff, v45  }
.Ltmp8:
0x196: {  	[tilespmem:s29+$0x2470] =	vst.add.f32.msk $0xffff, v46;
	(pc) =	sbr.rel @p0 .LBB2_10-.Ltmp8, $4  }
0x197: {  	[tilespmem:s29+$0x2800] =	vst.add.f32.msk $0xffff, v47  }
0x198: {  	[tilespmem:s29+$0x2810] =	vst.add.f32.msk $0xffff, v48  }
0x199: {  	[tilespmem:s29+$0x2820] =	vst.add.f32.msk $0xffff, v49  }
0x19a: {  	s31 =	sshrl.u32 s30, $0x3;
	s30 =	sadd.s32 $0x1, s30;
	[tilespmem:s29+$0x2830] =	vst.add.f32.msk $0xffff, v50  }
0x19b: {  	s1 =	smul.u32 $0x1800, s31;
	[tilespmem:s29+$0x2840] =	vst.add.f32.msk $0xffff, v6;
	s28 =	sadd.s32 $0x80, s28  }
0x19c: {  	[tilespmem:s29+$0x2850] =	vst.add.f32.msk $0xffff, v5;
	s28 =	sand.u32 $0x380, s28  }
0x19d: {  	[tilespmem:s29+$0x2860] =	vst.add.f32.msk $0xffff, v4;
	s28 =	sor.u32 s28, s1  }
0x19e: {  	v4 =	vld [tilespmem:s28+$0x8870]  }
0x19f: {  	v5 =	vld [tilespmem:s28+$0x7400]  }
0x1a0: {  	v6 =	vld [tilespmem:s28+$0x7410]  }
0x1a1: {  	v7 =	vld [tilespmem:s28+$0x7420]  }
0x1a2: {  	v8 =	vld [tilespmem:s28+$0x7430]  }
0x1a3: {  	v9 =	vld [tilespmem:s28+$0x7450]  }
0x1a4: {  	v10 =	vld [tilespmem:s28+$0x7460]  }
0x1a5: {  	v11 =	vld [tilespmem:s28+$0x7470]  }
0x1a6: {  	v12 =	vld [tilespmem:s28+$0x7800]  }
0x1a7: {  	v13 =	vld [tilespmem:s28+$0x7810]  }
0x1a8: {  	v14 =	vld [tilespmem:s28+$0x7820]  }
0x1a9: {  	v15 =	vld [tilespmem:s28+$0x7830]  }
0x1aa: {  	v16 =	vld [tilespmem:s28+$0x7840]  }
0x1ab: {  	v17 =	vld [tilespmem:s28+$0x7850]  }
0x1ac: {  	v18 =	vld [tilespmem:s28+$0x7860]  }
0x1ad: {  	v19 =	vld [tilespmem:s28+$0x7870]  }
0x1ae: {  	v20 =	vld [tilespmem:s28+$0x7C00]  }
0x1af: {  	v21 =	vld [tilespmem:s28+$0x7C10]  }
0x1b0: {  	v22 =	vld [tilespmem:s28+$0x7C20]  }
0x1b1: {  	v23 =	vld [tilespmem:s28+$0x7C30]  }
0x1b2: {  	v24 =	vld [tilespmem:s28+$0x7C40]  }
0x1b3: {  	v25 =	vld [tilespmem:s28+$0x7C50]  }
0x1b4: {  	v26 =	vld [tilespmem:s28+$0x7C60]  }
0x1b5: {  	v27 =	vld [tilespmem:s28+$0x7C70]  }
0x1b6: {  	v28 =	vld [tilespmem:s28+$0x8000]  }
0x1b7: {  	v29 =	vld [tilespmem:s28+$0x8010]  }
0x1b8: {  	v30 =	vld [tilespmem:s28+$0x8020]  }
0x1b9: {  	v31 =	vld [tilespmem:s28+$0x8030]  }
0x1ba: {  	v32 =	vld [tilespmem:s28+$0x8040]  }
0x1bb: {  	v33 =	vld [tilespmem:s28+$0x8050]  }
0x1bc: {  	v34 =	vld [tilespmem:s28+$0x8060]  }
0x1bd: {  	v35 =	vld [tilespmem:s28+$0x8070]  }
0x1be: {  	v36 =	vld [tilespmem:s28+$0x8400]  }
0x1bf: {  	v37 =	vld [tilespmem:s28+$0x8410]  }
0x1c0: {  	v38 =	vld [tilespmem:s28+$0x8420]  }
0x1c1: {  	v39 =	vld [tilespmem:s28+$0x8430]  }
0x1c2: {  	v40 =	vld [tilespmem:s28+$0x8440]  }
0x1c3: {  	v41 =	vld [tilespmem:s28+$0x8450]  }
0x1c4: {  	v42 =	vld [tilespmem:s28+$0x8460]  }
0x1c5: {  	v43 =	vld [tilespmem:s28+$0x8470]  }
0x1c6: {  	v44 =	vld [tilespmem:s28+$0x8800]  }
0x1c7: {  	v45 =	vld [tilespmem:s28+$0x8810]  }
0x1c8: {  	v46 =	vld [tilespmem:s28+$0x8820]  }
0x1c9: {  	v47 =	vld [tilespmem:s28+$0x8830]  }
0x1ca: {  	v48 =	vld [tilespmem:s28+$0x8840]  }
0x1cb: {  	v49 =	vld [tilespmem:s28+$0x8850]  }
0x1cc: {  	v50 =	vld [tilespmem:s28+$0x8860]  }
0x1cd: {  	[tilespmem:s28+$0x2870] =	vst.add.f32.msk $0xffff, v4  }
0x1ce: {  	v4 =	vld [tilespmem:s28+$0x7440]  }
0x1cf: {  	[tilespmem:s28+$0x1400] =	vst.add.f32.msk $0xffff, v5  }
0x1d0: {  	[tilespmem:s28+$0x1410] =	vst.add.f32.msk $0xffff, v6  }
0x1d1: {  	[tilespmem:s28+$0x1420] =	vst.add.f32.msk $0xffff, v7  }
0x1d2: {  	[tilespmem:s28+$0x1430] =	vst.add.f32.msk $0xffff, v8  }
0x1d3: {  	[tilespmem:s28+$0x1450] =	vst.add.f32.msk $0xffff, v9  }
0x1d4: {  	[tilespmem:s28+$0x1460] =	vst.add.f32.msk $0xffff, v10  }
0x1d5: {  	[tilespmem:s28+$0x1470] =	vst.add.f32.msk $0xffff, v11  }
0x1d6: {  	[tilespmem:s28+$0x1800] =	vst.add.f32.msk $0xffff, v12  }
0x1d7: {  	[tilespmem:s28+$0x1810] =	vst.add.f32.msk $0xffff, v13  }
0x1d8: {  	[tilespmem:s28+$0x1820] =	vst.add.f32.msk $0xffff, v14  }
0x1d9: {  	[tilespmem:s28+$0x1830] =	vst.add.f32.msk $0xffff, v15  }
0x1da: {  	[tilespmem:s28+$0x1840] =	vst.add.f32.msk $0xffff, v16  }
0x1db: {  	[tilespmem:s28+$0x1850] =	vst.add.f32.msk $0xffff, v17  }
0x1dc: {  	[tilespmem:s28+$0x1860] =	vst.add.f32.msk $0xffff, v18  }
0x1dd: {  	[tilespmem:s28+$0x1870] =	vst.add.f32.msk $0xffff, v19  }
0x1de: {  	[tilespmem:s28+$0x1C00] =	vst.add.f32.msk $0xffff, v20  }
0x1df: {  	[tilespmem:s28+$0x1C10] =	vst.add.f32.msk $0xffff, v21  }
0x1e0: {  	[tilespmem:s28+$0x1C20] =	vst.add.f32.msk $0xffff, v22  }
0x1e1: {  	[tilespmem:s28+$0x1C30] =	vst.add.f32.msk $0xffff, v23  }
0x1e2: {  	[tilespmem:s28+$0x1C40] =	vst.add.f32.msk $0xffff, v24  }
0x1e3: {  	[tilespmem:s28+$0x1C50] =	vst.add.f32.msk $0xffff, v25  }
0x1e4: {  	[tilespmem:s28+$0x1C60] =	vst.add.f32.msk $0xffff, v26  }
0x1e5: {  	[tilespmem:s28+$0x1C70] =	vst.add.f32.msk $0xffff, v27  }
0x1e6: {  	[tilespmem:s28+$0x2000] =	vst.add.f32.msk $0xffff, v28  }
0x1e7: {  	[tilespmem:s28+$0x2010] =	vst.add.f32.msk $0xffff, v29  }
0x1e8: {  	[tilespmem:s28+$0x2020] =	vst.add.f32.msk $0xffff, v30  }
0x1e9: {  	[tilespmem:s28+$0x2030] =	vst.add.f32.msk $0xffff, v31  }
0x1ea: {  	[tilespmem:s28+$0x2040] =	vst.add.f32.msk $0xffff, v32  }
0x1eb: {  	[tilespmem:s28+$0x2050] =	vst.add.f32.msk $0xffff, v33  }
0x1ec: {  	[tilespmem:s28+$0x2060] =	vst.add.f32.msk $0xffff, v34  }
0x1ed: {  	[tilespmem:s28+$0x2070] =	vst.add.f32.msk $0xffff, v35  }
0x1ee: {  	[tilespmem:s28+$0x2400] =	vst.add.f32.msk $0xffff, v36  }
0x1ef: {  	[tilespmem:s28+$0x2410] =	vst.add.f32.msk $0xffff, v37  }
0x1f0: {  	[tilespmem:s28+$0x2420] =	vst.add.f32.msk $0xffff, v38  }
0x1f1: {  	[tilespmem:s28+$0x2430] =	vst.add.f32.msk $0xffff, v39  }
0x1f2: {  	[tilespmem:s28+$0x2440] =	vst.add.f32.msk $0xffff, v40  }
0x1f3: {  	[tilespmem:s28+$0x2450] =	vst.add.f32.msk $0xffff, v41  }
0x1f4: {  	[tilespmem:s28+$0x2460] =	vst.add.f32.msk $0xffff, v42  }
0x1f5: {  	[tilespmem:s28+$0x2470] =	vst.add.f32.msk $0xffff, v43  }
0x1f6: {  	[tilespmem:s28+$0x2800] =	vst.add.f32.msk $0xffff, v44  }
0x1f7: {  	[tilespmem:s28+$0x2810] =	vst.add.f32.msk $0xffff, v45  }
0x1f8: {  	s31 =	sshll.u32 s25, $0x5;
	[tilespmem:s28+$0x2820] =	vst.add.f32.msk $0xffff, v46  }
0x1f9: {  	p0 =	seq.s32 s26, $0x0;
	s1 =	sadd.s32 s5, s31;
	[tilespmem:s28+$0x2830] =	vst.add.f32.msk $0xffff, v47  }
.Ltmp9:
0x1fa: {  	s1 =	sshrl.u32 s1, $0x3;
	[tilespmem:s28+$0x2840] =	vst.add.f32.msk $0xffff, v48;
	(pc) =	sbr.rel @p0 .LBB2_17-.Ltmp9, $4  }
0x1fb: {  	s1 =	smul.u32 $0x300, s1;
	[tilespmem:s28+$0x2850] =	vst.add.f32.msk $0xffff, v49  }
0x1fc: {  	[tilespmem:s28+$0x2860] =	vst.add.f32.msk $0xffff, v50  }
0x1fd: {  	s1 =	sadd.s32 s3, s1;
	[tilespmem:s28+$0x1440] =	vst.add.f32.msk $0xffff, v4  }
0x1fe: {  	[hbm4b:s1+s4] =	stream.linear.scatter [tilespmem:s16], [sflag:$0x2], $0x6000, $0x38;
	[tilespmem:$0x19400] =	vst v63  }
.LBB2_12:
0x1ff: {  	p0 =	seq.s32 s25, $0x4C  }
.Ltmp10:
0x200: {  	_ = 	snop;
	(pc) =	sbr.rel @p0 .LBB2_14-.Ltmp10, $1  }
0x201: {  	_ =	sdelay $0x3  }
0x202: {  	_ =	swait.ge [sflag:s21], $0x6000  }
0x203: {  	[sflag:s21] =	ssyncset.done $0x0  }
0x204: {  	s1 =	sshll.u32 s25, $0x5;
	[sflag:s21] =	ssyncadd.s32 $0xFFFFA000  }
0x205: {  	v4 =	vld [tilespmem:s1+$0x20];
	_ =	sdelay $0x4  }
0x206: {  	v5 =	vshrl.u32 v4, $0x3  }
0x207: {  	v5 =	vmul.u32 $0x30, v5  }
0x208: {  	v4 =	vand.u32 $0x7, v4  }
0x209: {  	v4 =	vor.u32 v4, v5  }
0x20a: {  	v5 =	vperm.xlane v4, v1;
	_ =	sdelay $0x1  }
0x20b: {  	v5 =	vadd.s32 v2, v5;
	_ =	sdelay $0x3  }
0x20c: {  	v4 =	vperm.xlane v4, v3  }
0x20d: {  	[tilespmem:s16], [sflag:$0x1] =	stream.indirect_vreg.gather [hbm4b:s2+s4], $0x80, v5, vm0, $0xb8;
	[tilespmem:$0x19400] =	vst v63  }
0x20e: {  	s26 =	simm.s32 $0x1C00;
	v4 =	vadd.s32 v2, v4  }
0x20f: {  	[tilespmem:s26], [sflag:$0x1] =	stream.indirect_vreg.gather [hbm4b:s9+s4], $0x80, v5, vm0, $0xb8;
	[tilespmem:$0x19400] =	vst v63  }
0x210: {  	s30 =	simm.s32 $0x2400  }
0x211: {  	[tilespmem:s30], [sflag:$0x1] =	stream.indirect_vreg.gather [hbm4b:s10+s4], $0x80, v5, vm0, $0xb8;
	[tilespmem:$0x19400] =	vst v63  }
0x212: {  	s31 =	simm.s32 $0x2C00  }
0x213: {  	[tilespmem:s31], [sflag:$0x1] =	stream.indirect_vreg.gather [hbm4b:s2+s4], $0x80, v4, vm0, $0xb8;
	[tilespmem:$0x19400] =	vst v63  }
0x214: {  	s28 =	simm.s32 $0x3400  }
0x215: {  	[tilespmem:s28], [sflag:$0x1] =	stream.indirect_vreg.gather [hbm4b:s9+s4], $0x80, v4, vm0, $0xb8;
	[tilespmem:$0x19400] =	vst v63  }
0x216: {  	s29 =	simm.s32 $0x3C00  }
0x217: {  	[tilespmem:s29], [sflag:$0x1] =	stream.indirect_vreg.gather [hbm4b:s10+s4], $0x80, v4, vm0, $0xb8;
	[tilespmem:$0x19400] =	vst v63  }
0x218: {  	v4 =	vld [tilespmem:s1+$0x30];
	_ =	sdelay $0x4  }
0x219: {  	v5 =	vshrl.u32 v4, $0x3  }
0x21a: {  	v5 =	vmul.u32 $0x30, v5  }
0x21b: {  	v4 =	vand.u32 $0x7, v4  }
0x21c: {  	v4 =	vor.u32 v4, v5  }
0x21d: {  	v5 =	vperm.xlane v4, v1;
	_ =	sdelay $0x1  }
0x21e: {  	v5 =	vadd.s32 v2, v5;
	_ =	sdelay $0x3  }
0x21f: {  	s30 =	simm.s32 $0x4400;
	v4 =	vperm.xlane v4, v3  }
0x220: {  	[tilespmem:s30], [sflag:$0x1] =	stream.indirect_vreg.gather [hbm4b:s2+s4], $0x80, v5, vm0, $0xb8;
	[tilespmem:$0x19400] =	vst v63  }
0x221: {  	s31 =	simm.s32 $0x4C00;
	v4 =	vadd.s32 v2, v4  }
0x222: {  	[tilespmem:s31], [sflag:$0x1] =	stream.indirect_vreg.gather [hbm4b:s9+s4], $0x80, v5, vm0, $0xb8;
	[tilespmem:$0x19400] =	vst v63  }
0x223: {  	s28 =	simm.s32 $0x5400  }
0x224: {  	[tilespmem:s28], [sflag:$0x1] =	stream.indirect_vreg.gather [hbm4b:s10+s4], $0x80, v5, vm0, $0xb8;
	[tilespmem:$0x19400] =	vst v63  }
0x225: {  	s29 =	simm.s32 $0x5C00  }
0x226: {  	[tilespmem:s29], [sflag:$0x1] =	stream.indirect_vreg.gather [hbm4b:s2+s4], $0x80, v4, vm0, $0xb8;
	[tilespmem:$0x19400] =	vst v63  }
0x227: {  	s30 =	simm.s32 $0x6400  }
0x228: {  	[tilespmem:s30], [sflag:$0x1] =	stream.indirect_vreg.gather [hbm4b:s9+s4], $0x80, v4, vm0, $0xb8;
	[tilespmem:$0x19400] =	vst v63  }
0x229: {  	s31 =	simm.s32 $0x6C00  }
0x22a: {  	[tilespmem:s31], [sflag:$0x1] =	stream.indirect_vreg.gather [hbm4b:s10+s4], $0x80, v4, vm0, $0xb8;
	[tilespmem:$0x19400] =	vst v63  }
0x22b: {  	v4 =	vld [tilespmem:s1+$0xA20];
	_ =	sdelay $0x4  }
0x22c: {  	v5 =	vshrl.u32 v4, $0x3  }
0x22d: {  	v5 =	vmul.u32 $0x30, v5  }
0x22e: {  	v4 =	vand.u32 $0x7, v4  }
0x22f: {  	v4 =	vor.u32 v4, v5  }
0x230: {  	v5 =	vperm.xlane v4, v1;
	_ =	sdelay $0x1  }
0x231: {  	v5 =	vadd.s32 v2, v5;
	_ =	sdelay $0x3  }
0x232: {  	s28 =	simm.s32 $0x7400;
	v4 =	vperm.xlane v4, v3  }
0x233: {  	[tilespmem:s28], [sflag:$0x1] =	stream.indirect_vreg.gather [hbm4b:s6+s4], $0x80, v5, vm0, $0xb8;
	[tilespmem:$0x19400] =	vst v63  }
0x234: {  	s29 =	simm.s32 $0x7C00;
	v4 =	vadd.s32 v2, v4  }
0x235: {  	[tilespmem:s29], [sflag:$0x1] =	stream.indirect_vreg.gather [hbm4b:s11+s4], $0x80, v5, vm0, $0xb8;
	[tilespmem:$0x19400] =	vst v63  }
0x236: {  	s30 =	simm.s32 $0x8400  }
0x237: {  	[tilespmem:s30], [sflag:$0x1] =	stream.indirect_vreg.gather [hbm4b:s12+s4], $0x80, v5, vm0, $0xb8;
	[tilespmem:$0x19400] =	vst v63  }
0x238: {  	s31 =	simm.s32 $0x8C00  }
0x239: {  	[tilespmem:s31], [sflag:$0x1] =	stream.indirect_vreg.gather [hbm4b:s6+s4], $0x80, v4, vm0, $0xb8;
	[tilespmem:$0x19400] =	vst v63  }
0x23a: {  	_ = 	snop  }
0x23b: {  	[tilespmem:s0], [sflag:$0x1] =	stream.indirect_vreg.gather [hbm4b:s11+s4], $0x80, v4, vm0, $0xb8;
	[tilespmem:$0x19400] =	vst v63  }
0x23c: {  	_ = 	snop  }
0x23d: {  	[tilespmem:s15], [sflag:$0x1] =	stream.indirect_vreg.gather [hbm4b:s12+s4], $0x80, v4, vm0, $0xb8;
	[tilespmem:$0x19400] =	vst v63  }
0x23e: {  	v4 =	vld [tilespmem:s1+$0xA30];
	_ =	sdelay $0x4  }
0x23f: {  	v5 =	vshrl.u32 v4, $0x3  }
0x240: {  	v5 =	vmul.u32 $0x30, v5  }
0x241: {  	v4 =	vand.u32 $0x7, v4  }
0x242: {  	v4 =	vor.u32 v4, v5  }
0x243: {  	v5 =	vperm.xlane v4, v1;
	_ =	sdelay $0x1  }
0x244: {  	v5 =	vadd.s32 v2, v5;
	_ =	sdelay $0x3  }
0x245: {  	v4 =	vperm.xlane v4, v3  }
0x246: {  	[tilespmem:s7], [sflag:$0x1] =	stream.indirect_vreg.gather [hbm4b:s6+s4], $0x80, v5, vm0, $0xb8;
	[tilespmem:$0x19400] =	vst v63  }
0x247: {  	v4 =	vadd.s32 v2, v4  }
0x248: {  	[tilespmem:s8], [sflag:$0x1] =	stream.indirect_vreg.gather [hbm4b:s11+s4], $0x80, v5, vm0, $0xb8;
	[tilespmem:$0x19400] =	vst v63  }
0x249: {  	_ = 	snop  }
0x24a: {  	[tilespmem:s13], [sflag:$0x1] =	stream.indirect_vreg.gather [hbm4b:s12+s4], $0x80, v5, vm0, $0xb8;
	[tilespmem:$0x19400] =	vst v63  }
0x24b: {  	_ = 	snop  }
0x24c: {  	[tilespmem:s14], [sflag:$0x1] =	stream.indirect_vreg.gather [hbm4b:s6+s4], $0x80, v4, vm0, $0xb8;
	[tilespmem:$0x19400] =	vst v63  }
0x24d: {  	_ = 	snop  }
0x24e: {  	[tilespmem:s17], [sflag:$0x1] =	stream.indirect_vreg.gather [hbm4b:s11+s4], $0x80, v4, vm0, $0xb8;
	[tilespmem:$0x19400] =	vst v63  }
0x24f: {  	_ = 	snop  }
0x250: {  	[tilespmem:s18], [sflag:$0x1] =	stream.indirect_vreg.gather [hbm4b:s12+s4], $0x80, v4, vm0, $0xb8;
	[tilespmem:$0x19400] =	vst v63  }
.LBB2_14:
0x251: {  	_ =	swait.ge [sflag:s19], $0x6000  }
0x252: {  	[sflag:s19] =	ssyncset.done $0x0  }
0x253: {  	s1 =	simm.s32 $0x0;
	[sflag:s19] =	ssyncadd.s32 $0xFFFFA000  }
0x254: {  	s26 =	simm.s32 $0x0;
	s1 =	smul.u32 $0x1800, s1;
	_ =	swait.ge [sflag:s19], $0x6000  }
0x255: {  	s28 =	sand.u32 $0x380, s26;
	[sflag:s19] =	ssyncset.done $0x0  }
0x256: {  	s28 =	sor.u32 s28, s1;
	[sflag:s19] =	ssyncadd.s32 $0xFFFFA000  }
0x257: {  	v4 =	vld [tilespmem:s28+$0x14870]  }
0x258: {  	v7 =	vld [tilespmem:s28+$0x13400]  }
0x259: {  	v8 =	vld [tilespmem:s28+$0x13410]  }
0x25a: {  	v9 =	vld [tilespmem:s28+$0x13420]  }
0x25b: {  	v10 =	vld [tilespmem:s28+$0x13430]  }
0x25c: {  	v11 =	vld [tilespmem:s28+$0x13440]  }
0x25d: {  	v12 =	vld [tilespmem:s28+$0x13450]  }
0x25e: {  	v13 =	vld [tilespmem:s28+$0x13460]  }
0x25f: {  	v14 =	vld [tilespmem:s28+$0x13470]  }
0x260: {  	v15 =	vld [tilespmem:s28+$0x13800]  }
0x261: {  	v16 =	vld [tilespmem:s28+$0x13810]  }
0x262: {  	v17 =	vld [tilespmem:s28+$0x13820]  }
0x263: {  	v18 =	vld [tilespmem:s28+$0x13830]  }
0x264: {  	v19 =	vld [tilespmem:s28+$0x13840]  }
0x265: {  	v20 =	vld [tilespmem:s28+$0x13850]  }
0x266: {  	v21 =	vld [tilespmem:s28+$0x13860]  }
0x267: {  	v22 =	vld [tilespmem:s28+$0x13870]  }
0x268: {  	v23 =	vld [tilespmem:s28+$0x13C00]  }
0x269: {  	v24 =	vld [tilespmem:s28+$0x13C10]  }
0x26a: {  	v25 =	vld [tilespmem:s28+$0x13C20]  }
0x26b: {  	v26 =	vld [tilespmem:s28+$0x13C30]  }
0x26c: {  	v27 =	vld [tilespmem:s28+$0x13C40]  }
0x26d: {  	v28 =	vld [tilespmem:s28+$0x13C50]  }
0x26e: {  	v29 =	vld [tilespmem:s28+$0x13C60]  }
0x26f: {  	v30 =	vld [tilespmem:s28+$0x13C70]  }
0x270: {  	v31 =	vld [tilespmem:s28+$0x14000]  }
0x271: {  	v32 =	vld [tilespmem:s28+$0x14010]  }
0x272: {  	v33 =	vld [tilespmem:s28+$0x14020]  }
0x273: {  	v34 =	vld [tilespmem:s28+$0x14030]  }
0x274: {  	v35 =	vld [tilespmem:s28+$0x14040]  }
0x275: {  	v36 =	vld [tilespmem:s28+$0x14050]  }
0x276: {  	v37 =	vld [tilespmem:s28+$0x14060]  }
0x277: {  	v38 =	vld [tilespmem:s28+$0x14070]  }
0x278: {  	v39 =	vld [tilespmem:s28+$0x14400]  }
0x279: {  	v40 =	vld [tilespmem:s28+$0x14410]  }
0x27a: {  	v41 =	vld [tilespmem:s28+$0x14420]  }
0x27b: {  	v42 =	vld [tilespmem:s28+$0x14430]  }
0x27c: {  	v43 =	vld [tilespmem:s28+$0x14440]  }
0x27d: {  	v44 =	vld [tilespmem:s28+$0x14450]  }
0x27e: {  	v45 =	vld [tilespmem:s28+$0x14460]  }
0x27f: {  	v46 =	vld [tilespmem:s28+$0x14470]  }
0x280: {  	v47 =	vld [tilespmem:s28+$0x14800]  }
0x281: {  	v48 =	vld [tilespmem:s28+$0x14810]  }
0x282: {  	v49 =	vld [tilespmem:s28+$0x14820]  }
0x283: {  	v50 =	vld [tilespmem:s28+$0x14830]  }
0x284: {  	v6 =	vld [tilespmem:s28+$0x14840]  }
0x285: {  	v5 =	vld [tilespmem:s28+$0x14850]  }
0x286: {  	[tilespmem:s28+$0xE870] =	vst.add.f32.msk $0xffff, v4  }
0x287: {  	v4 =	vld [tilespmem:s28+$0x14860]  }
0x288: {  	[tilespmem:s28+$0xD400] =	vst.add.f32.msk $0xffff, v7  }
0x289: {  	[tilespmem:s28+$0xD410] =	vst.add.f32.msk $0xffff, v8  }
0x28a: {  	[tilespmem:s28+$0xD420] =	vst.add.f32.msk $0xffff, v9  }
0x28b: {  	[tilespmem:s28+$0xD430] =	vst.add.f32.msk $0xffff, v10  }
0x28c: {  	[tilespmem:s28+$0xD440] =	vst.add.f32.msk $0xffff, v11  }
0x28d: {  	[tilespmem:s28+$0xD450] =	vst.add.f32.msk $0xffff, v12  }
0x28e: {  	[tilespmem:s28+$0xD460] =	vst.add.f32.msk $0xffff, v13  }
0x28f: {  	[tilespmem:s28+$0xD470] =	vst.add.f32.msk $0xffff, v14  }
0x290: {  	[tilespmem:s28+$0xD800] =	vst.add.f32.msk $0xffff, v15  }
0x291: {  	[tilespmem:s28+$0xD810] =	vst.add.f32.msk $0xffff, v16  }
0x292: {  	[tilespmem:s28+$0xD820] =	vst.add.f32.msk $0xffff, v17  }
0x293: {  	[tilespmem:s28+$0xD830] =	vst.add.f32.msk $0xffff, v18  }
0x294: {  	[tilespmem:s28+$0xD840] =	vst.add.f32.msk $0xffff, v19  }
0x295: {  	[tilespmem:s28+$0xD850] =	vst.add.f32.msk $0xffff, v20  }
0x296: {  	[tilespmem:s28+$0xD860] =	vst.add.f32.msk $0xffff, v21  }
0x297: {  	[tilespmem:s28+$0xD870] =	vst.add.f32.msk $0xffff, v22  }
0x298: {  	[tilespmem:s28+$0xDC00] =	vst.add.f32.msk $0xffff, v23  }
0x299: {  	[tilespmem:s28+$0xDC10] =	vst.add.f32.msk $0xffff, v24  }
0x29a: {  	[tilespmem:s28+$0xDC20] =	vst.add.f32.msk $0xffff, v25  }
0x29b: {  	[tilespmem:s28+$0xDC30] =	vst.add.f32.msk $0xffff, v26  }
0x29c: {  	[tilespmem:s28+$0xDC40] =	vst.add.f32.msk $0xffff, v27  }
0x29d: {  	[tilespmem:s28+$0xDC50] =	vst.add.f32.msk $0xffff, v28  }
0x29e: {  	[tilespmem:s28+$0xDC60] =	vst.add.f32.msk $0xffff, v29  }
0x29f: {  	[tilespmem:s28+$0xDC70] =	vst.add.f32.msk $0xffff, v30  }
0x2a0: {  	[tilespmem:s28+$0xE000] =	vst.add.f32.msk $0xffff, v31  }
0x2a1: {  	[tilespmem:s28+$0xE010] =	vst.add.f32.msk $0xffff, v32  }
0x2a2: {  	[tilespmem:s28+$0xE020] =	vst.add.f32.msk $0xffff, v33  }
0x2a3: {  	[tilespmem:s28+$0xE030] =	vst.add.f32.msk $0xffff, v34  }
0x2a4: {  	[tilespmem:s28+$0xE040] =	vst.add.f32.msk $0xffff, v35  }
0x2a5: {  	[tilespmem:s28+$0xE050] =	vst.add.f32.msk $0xffff, v36  }
0x2a6: {  	[tilespmem:s28+$0xE060] =	vst.add.f32.msk $0xffff, v37  }
0x2a7: {  	[tilespmem:s28+$0xE070] =	vst.add.f32.msk $0xffff, v38  }
0x2a8: {  	[tilespmem:s28+$0xE400] =	vst.add.f32.msk $0xffff, v39  }
0x2a9: {  	[tilespmem:s28+$0xE410] =	vst.add.f32.msk $0xffff, v40  }
0x2aa: {  	[tilespmem:s28+$0xE420] =	vst.add.f32.msk $0xffff, v41  }
0x2ab: {  	[tilespmem:s28+$0xE430] =	vst.add.f32.msk $0xffff, v42  }
0x2ac: {  	[tilespmem:s28+$0xE440] =	vst.add.f32.msk $0xffff, v43  }
0x2ad: {  	[tilespmem:s28+$0xE450] =	vst.add.f32.msk $0xffff, v44  }
0x2ae: {  	[tilespmem:s28+$0xE460] =	vst.add.f32.msk $0xffff, v45  }
0x2af: {  	[tilespmem:s28+$0xE470] =	vst.add.f32.msk $0xffff, v46  }
0x2b0: {  	[tilespmem:s28+$0xE800] =	vst.add.f32.msk $0xffff, v47  }
0x2b1: {  	[tilespmem:s28+$0xE810] =	vst.add.f32.msk $0xffff, v48  }
0x2b2: {  	[tilespmem:s28+$0xE820] =	vst.add.f32.msk $0xffff, v49  }
0x2b3: {  	s30 =	simm.s32 $0x0;
	s29 =	simm.s32 $0x2;
	[tilespmem:s28+$0xE830] =	vst.add.f32.msk $0xffff, v50  }
.LBB2_15:
0x2b4: {  	p0 =	sne.s32 s29, $0x1F;
	s1 =	smul.u32 $0x1800, s30;
	[tilespmem:s28+$0xE840] =	vst.add.f32.msk $0xffff, v6;
	s26 =	sadd.s32 $0x80, s26  }
0x2b5: {  	s30 =	sand.u32 $0x380, s26;
	[tilespmem:s28+$0xE850] =	vst.add.f32.msk $0xffff, v5  }
0x2b6: {  	[tilespmem:s28+$0xE860] =	vst.add.f32.msk $0xffff, v4;
	s28 =	sor.u32 s30, s1  }
0x2b7: {  	v4 =	vld [tilespmem:s28+$0x14870]  }
0x2b8: {  	v7 =	vld [tilespmem:s28+$0x13400]  }
0x2b9: {  	v8 =	vld [tilespmem:s28+$0x13410]  }
0x2ba: {  	v9 =	vld [tilespmem:s28+$0x13420]  }
0x2bb: {  	v10 =	vld [tilespmem:s28+$0x13430]  }
0x2bc: {  	[tilespmem:s28+$0xE870] =	vst.add.f32.msk $0xffff, v4  }
0x2bd: {  	v11 =	vld [tilespmem:s28+$0x13440]  }
0x2be: {  	v12 =	vld [tilespmem:s28+$0x13450]  }
0x2bf: {  	v13 =	vld [tilespmem:s28+$0x13460]  }
0x2c0: {  	v14 =	vld [tilespmem:s28+$0x13470]  }
0x2c1: {  	v15 =	vld [tilespmem:s28+$0x13800]  }
0x2c2: {  	v16 =	vld [tilespmem:s28+$0x13810]  }
0x2c3: {  	v17 =	vld [tilespmem:s28+$0x13820]  }
0x2c4: {  	v18 =	vld [tilespmem:s28+$0x13830]  }
0x2c5: {  	v19 =	vld [tilespmem:s28+$0x13840]  }
0x2c6: {  	v20 =	vld [tilespmem:s28+$0x13850]  }
0x2c7: {  	v21 =	vld [tilespmem:s28+$0x13860]  }
0x2c8: {  	v22 =	vld [tilespmem:s28+$0x13870]  }
0x2c9: {  	v23 =	vld [tilespmem:s28+$0x13C00]  }
0x2ca: {  	v24 =	vld [tilespmem:s28+$0x13C10]  }
0x2cb: {  	v25 =	vld [tilespmem:s28+$0x13C20]  }
0x2cc: {  	v26 =	vld [tilespmem:s28+$0x13C30]  }
0x2cd: {  	v27 =	vld [tilespmem:s28+$0x13C40]  }
0x2ce: {  	v28 =	vld [tilespmem:s28+$0x13C50]  }
0x2cf: {  	v29 =	vld [tilespmem:s28+$0x13C60]  }
0x2d0: {  	v30 =	vld [tilespmem:s28+$0x13C70]  }
0x2d1: {  	v31 =	vld [tilespmem:s28+$0x14000]  }
0x2d2: {  	v32 =	vld [tilespmem:s28+$0x14010]  }
0x2d3: {  	v33 =	vld [tilespmem:s28+$0x14020]  }
0x2d4: {  	v34 =	vld [tilespmem:s28+$0x14030]  }
0x2d5: {  	v35 =	vld [tilespmem:s28+$0x14040]  }
0x2d6: {  	v36 =	vld [tilespmem:s28+$0x14050]  }
0x2d7: {  	v37 =	vld [tilespmem:s28+$0x14060]  }
0x2d8: {  	v38 =	vld [tilespmem:s28+$0x14070]  }
0x2d9: {  	v39 =	vld [tilespmem:s28+$0x14400]  }
0x2da: {  	v40 =	vld [tilespmem:s28+$0x14410]  }
0x2db: {  	v41 =	vld [tilespmem:s28+$0x14420]  }
0x2dc: {  	v42 =	vld [tilespmem:s28+$0x14430]  }
0x2dd: {  	v43 =	vld [tilespmem:s28+$0x14440]  }
0x2de: {  	v44 =	vld [tilespmem:s28+$0x14450]  }
0x2df: {  	v45 =	vld [tilespmem:s28+$0x14460]  }
0x2e0: {  	v46 =	vld [tilespmem:s28+$0x14470]  }
0x2e1: {  	v47 =	vld [tilespmem:s28+$0x14800]  }
0x2e2: {  	v48 =	vld [tilespmem:s28+$0x14810]  }
0x2e3: {  	v49 =	vld [tilespmem:s28+$0x14820]  }
0x2e4: {  	v50 =	vld [tilespmem:s28+$0x14830]  }
0x2e5: {  	v6 =	vld [tilespmem:s28+$0x14840]  }
0x2e6: {  	v5 =	vld [tilespmem:s28+$0x14850]  }
0x2e7: {  	v4 =	vld [tilespmem:s28+$0x14860]  }
0x2e8: {  	[tilespmem:s28+$0xD400] =	vst.add.f32.msk $0xffff, v7  }
0x2e9: {  	[tilespmem:s28+$0xD410] =	vst.add.f32.msk $0xffff, v8  }
0x2ea: {  	[tilespmem:s28+$0xD420] =	vst.add.f32.msk $0xffff, v9  }
0x2eb: {  	[tilespmem:s28+$0xD430] =	vst.add.f32.msk $0xffff, v10  }
0x2ec: {  	[tilespmem:s28+$0xD440] =	vst.add.f32.msk $0xffff, v11  }
0x2ed: {  	[tilespmem:s28+$0xD450] =	vst.add.f32.msk $0xffff, v12  }
0x2ee: {  	[tilespmem:s28+$0xD460] =	vst.add.f32.msk $0xffff, v13  }
0x2ef: {  	[tilespmem:s28+$0xD470] =	vst.add.f32.msk $0xffff, v14  }
0x2f0: {  	[tilespmem:s28+$0xD800] =	vst.add.f32.msk $0xffff, v15  }
0x2f1: {  	[tilespmem:s28+$0xD810] =	vst.add.f32.msk $0xffff, v16  }
0x2f2: {  	[tilespmem:s28+$0xD820] =	vst.add.f32.msk $0xffff, v17  }
0x2f3: {  	[tilespmem:s28+$0xD830] =	vst.add.f32.msk $0xffff, v18  }
0x2f4: {  	[tilespmem:s28+$0xD840] =	vst.add.f32.msk $0xffff, v19  }
0x2f5: {  	[tilespmem:s28+$0xD850] =	vst.add.f32.msk $0xffff, v20  }
0x2f6: {  	[tilespmem:s28+$0xD860] =	vst.add.f32.msk $0xffff, v21  }
0x2f7: {  	[tilespmem:s28+$0xD870] =	vst.add.f32.msk $0xffff, v22  }
0x2f8: {  	[tilespmem:s28+$0xDC00] =	vst.add.f32.msk $0xffff, v23  }
0x2f9: {  	[tilespmem:s28+$0xDC10] =	vst.add.f32.msk $0xffff, v24  }
0x2fa: {  	[tilespmem:s28+$0xDC20] =	vst.add.f32.msk $0xffff, v25  }
0x2fb: {  	[tilespmem:s28+$0xDC30] =	vst.add.f32.msk $0xffff, v26  }
0x2fc: {  	[tilespmem:s28+$0xDC40] =	vst.add.f32.msk $0xffff, v27  }
0x2fd: {  	[tilespmem:s28+$0xDC50] =	vst.add.f32.msk $0xffff, v28  }
0x2fe: {  	[tilespmem:s28+$0xDC60] =	vst.add.f32.msk $0xffff, v29  }
0x2ff: {  	[tilespmem:s28+$0xDC70] =	vst.add.f32.msk $0xffff, v30  }
0x300: {  	[tilespmem:s28+$0xE000] =	vst.add.f32.msk $0xffff, v31  }
0x301: {  	[tilespmem:s28+$0xE010] =	vst.add.f32.msk $0xffff, v32  }
0x302: {  	[tilespmem:s28+$0xE020] =	vst.add.f32.msk $0xffff, v33  }
0x303: {  	[tilespmem:s28+$0xE030] =	vst.add.f32.msk $0xffff, v34  }
0x304: {  	[tilespmem:s28+$0xE040] =	vst.add.f32.msk $0xffff, v35  }
0x305: {  	[tilespmem:s28+$0xE050] =	vst.add.f32.msk $0xffff, v36  }
0x306: {  	[tilespmem:s28+$0xE060] =	vst.add.f32.msk $0xffff, v37  }
0x307: {  	[tilespmem:s28+$0xE070] =	vst.add.f32.msk $0xffff, v38  }
0x308: {  	[tilespmem:s28+$0xE400] =	vst.add.f32.msk $0xffff, v39  }
0x309: {  	[tilespmem:s28+$0xE410] =	vst.add.f32.msk $0xffff, v40  }
0x30a: {  	[tilespmem:s28+$0xE420] =	vst.add.f32.msk $0xffff, v41  }
0x30b: {  	[tilespmem:s28+$0xE430] =	vst.add.f32.msk $0xffff, v42  }
0x30c: {  	[tilespmem:s28+$0xE440] =	vst.add.f32.msk $0xffff, v43  }
0x30d: {  	[tilespmem:s28+$0xE450] =	vst.add.f32.msk $0xffff, v44  }
0x30e: {  	[tilespmem:s28+$0xE460] =	vst.add.f32.msk $0xffff, v45  }
.Ltmp11:
0x30f: {  	[tilespmem:s28+$0xE470] =	vst.add.f32.msk $0xffff, v46;
	(pc) =	sbr.rel @p0 .LBB2_15-.Ltmp11, $4  }
0x310: {  	[tilespmem:s28+$0xE800] =	vst.add.f32.msk $0xffff, v47  }
0x311: {  	[tilespmem:s28+$0xE810] =	vst.add.f32.msk $0xffff, v48  }
0x312: {  	[tilespmem:s28+$0xE820] =	vst.add.f32.msk $0xffff, v49  }
0x313: {  	s30 =	sshrl.u32 s29, $0x3;
	s29 =	sadd.s32 $0x1, s29;
	[tilespmem:s28+$0xE830] =	vst.add.f32.msk $0xffff, v50  }
0x314: {  	s1 =	smul.u32 $0x1800, s30;
	[tilespmem:s28+$0xE840] =	vst.add.f32.msk $0xffff, v6;
	s26 =	sadd.s32 $0x80, s26  }
0x315: {  	[tilespmem:s28+$0xE850] =	vst.add.f32.msk $0xffff, v5;
	s26 =	sand.u32 $0x380, s26  }
0x316: {  	[tilespmem:s28+$0xE860] =	vst.add.f32.msk $0xffff, v4;
	s26 =	sor.u32 s26, s1  }
0x317: {  	v4 =	vld [tilespmem:s26+$0x14870]  }
0x318: {  	v5 =	vld [tilespmem:s26+$0x13400]  }
0x319: {  	v6 =	vld [tilespmem:s26+$0x13410]  }
0x31a: {  	v7 =	vld [tilespmem:s26+$0x13420]  }
0x31b: {  	v8 =	vld [tilespmem:s26+$0x13430]  }
0x31c: {  	v9 =	vld [tilespmem:s26+$0x13450]  }
0x31d: {  	v10 =	vld [tilespmem:s26+$0x13460]  }
0x31e: {  	v11 =	vld [tilespmem:s26+$0x13470]  }
0x31f: {  	v12 =	vld [tilespmem:s26+$0x13800]  }
0x320: {  	v13 =	vld [tilespmem:s26+$0x13810]  }
0x321: {  	v14 =	vld [tilespmem:s26+$0x13820]  }
0x322: {  	v15 =	vld [tilespmem:s26+$0x13830]  }
0x323: {  	v16 =	vld [tilespmem:s26+$0x13840]  }
0x324: {  	v17 =	vld [tilespmem:s26+$0x13850]  }
0x325: {  	v18 =	vld [tilespmem:s26+$0x13860]  }
0x326: {  	v19 =	vld [tilespmem:s26+$0x13870]  }
0x327: {  	v20 =	vld [tilespmem:s26+$0x13C00]  }
0x328: {  	v21 =	vld [tilespmem:s26+$0x13C10]  }
0x329: {  	v22 =	vld [tilespmem:s26+$0x13C20]  }
0x32a: {  	v23 =	vld [tilespmem:s26+$0x13C30]  }
0x32b: {  	v24 =	vld [tilespmem:s26+$0x13C40]  }
0x32c: {  	v25 =	vld [tilespmem:s26+$0x13C50]  }
0x32d: {  	v26 =	vld [tilespmem:s26+$0x13C60]  }
0x32e: {  	v27 =	vld [tilespmem:s26+$0x13C70]  }
0x32f: {  	v28 =	vld [tilespmem:s26+$0x14000]  }
0x330: {  	v29 =	vld [tilespmem:s26+$0x14010]  }
0x331: {  	v30 =	vld [tilespmem:s26+$0x14020]  }
0x332: {  	v31 =	vld [tilespmem:s26+$0x14030]  }
0x333: {  	v32 =	vld [tilespmem:s26+$0x14040]  }
0x334: {  	v33 =	vld [tilespmem:s26+$0x14050]  }
0x335: {  	v34 =	vld [tilespmem:s26+$0x14060]  }
0x336: {  	v35 =	vld [tilespmem:s26+$0x14070]  }
0x337: {  	v36 =	vld [tilespmem:s26+$0x14400]  }
0x338: {  	v37 =	vld [tilespmem:s26+$0x14410]  }
0x339: {  	v38 =	vld [tilespmem:s26+$0x14420]  }
0x33a: {  	v39 =	vld [tilespmem:s26+$0x14430]  }
0x33b: {  	v40 =	vld [tilespmem:s26+$0x14440]  }
0x33c: {  	v41 =	vld [tilespmem:s26+$0x14450]  }
0x33d: {  	v42 =	vld [tilespmem:s26+$0x14460]  }
0x33e: {  	v43 =	vld [tilespmem:s26+$0x14470]  }
0x33f: {  	v44 =	vld [tilespmem:s26+$0x14800]  }
0x340: {  	v45 =	vld [tilespmem:s26+$0x14810]  }
0x341: {  	v46 =	vld [tilespmem:s26+$0x14820]  }
0x342: {  	v47 =	vld [tilespmem:s26+$0x14830]  }
0x343: {  	v48 =	vld [tilespmem:s26+$0x14840]  }
0x344: {  	v49 =	vld [tilespmem:s26+$0x14850]  }
0x345: {  	v50 =	vld [tilespmem:s26+$0x14860]  }
0x346: {  	[tilespmem:s26+$0xE870] =	vst.add.f32.msk $0xffff, v4  }
0x347: {  	v4 =	vld [tilespmem:s26+$0x13440]  }
0x348: {  	[tilespmem:s26+$0xD400] =	vst.add.f32.msk $0xffff, v5  }
0x349: {  	[tilespmem:s26+$0xD410] =	vst.add.f32.msk $0xffff, v6  }
0x34a: {  	[tilespmem:s26+$0xD420] =	vst.add.f32.msk $0xffff, v7  }
0x34b: {  	[tilespmem:s26+$0xD430] =	vst.add.f32.msk $0xffff, v8  }
0x34c: {  	[tilespmem:s26+$0xD450] =	vst.add.f32.msk $0xffff, v9  }
0x34d: {  	[tilespmem:s26+$0xD460] =	vst.add.f32.msk $0xffff, v10  }
0x34e: {  	[tilespmem:s26+$0xD470] =	vst.add.f32.msk $0xffff, v11  }
0x34f: {  	[tilespmem:s26+$0xD800] =	vst.add.f32.msk $0xffff, v12  }
0x350: {  	[tilespmem:s26+$0xD810] =	vst.add.f32.msk $0xffff, v13  }
0x351: {  	[tilespmem:s26+$0xD820] =	vst.add.f32.msk $0xffff, v14  }
0x352: {  	[tilespmem:s26+$0xD830] =	vst.add.f32.msk $0xffff, v15  }
0x353: {  	[tilespmem:s26+$0xD840] =	vst.add.f32.msk $0xffff, v16  }
0x354: {  	[tilespmem:s26+$0xD850] =	vst.add.f32.msk $0xffff, v17  }
0x355: {  	[tilespmem:s26+$0xD860] =	vst.add.f32.msk $0xffff, v18  }
0x356: {  	[tilespmem:s26+$0xD870] =	vst.add.f32.msk $0xffff, v19  }
0x357: {  	[tilespmem:s26+$0xDC00] =	vst.add.f32.msk $0xffff, v20  }
0x358: {  	[tilespmem:s26+$0xDC10] =	vst.add.f32.msk $0xffff, v21  }
0x359: {  	[tilespmem:s26+$0xDC20] =	vst.add.f32.msk $0xffff, v22  }
0x35a: {  	[tilespmem:s26+$0xDC30] =	vst.add.f32.msk $0xffff, v23  }
0x35b: {  	[tilespmem:s26+$0xDC40] =	vst.add.f32.msk $0xffff, v24  }
0x35c: {  	[tilespmem:s26+$0xDC50] =	vst.add.f32.msk $0xffff, v25  }
0x35d: {  	[tilespmem:s26+$0xDC60] =	vst.add.f32.msk $0xffff, v26  }
0x35e: {  	[tilespmem:s26+$0xDC70] =	vst.add.f32.msk $0xffff, v27  }
0x35f: {  	[tilespmem:s26+$0xE000] =	vst.add.f32.msk $0xffff, v28  }
0x360: {  	[tilespmem:s26+$0xE010] =	vst.add.f32.msk $0xffff, v29  }
0x361: {  	[tilespmem:s26+$0xE020] =	vst.add.f32.msk $0xffff, v30  }
0x362: {  	[tilespmem:s26+$0xE030] =	vst.add.f32.msk $0xffff, v31  }
0x363: {  	[tilespmem:s26+$0xE040] =	vst.add.f32.msk $0xffff, v32  }
0x364: {  	[tilespmem:s26+$0xE050] =	vst.add.f32.msk $0xffff, v33  }
0x365: {  	[tilespmem:s26+$0xE060] =	vst.add.f32.msk $0xffff, v34  }
0x366: {  	[tilespmem:s26+$0xE070] =	vst.add.f32.msk $0xffff, v35  }
0x367: {  	[tilespmem:s26+$0xE400] =	vst.add.f32.msk $0xffff, v36  }
0x368: {  	[tilespmem:s26+$0xE410] =	vst.add.f32.msk $0xffff, v37  }
0x369: {  	[tilespmem:s26+$0xE420] =	vst.add.f32.msk $0xffff, v38  }
0x36a: {  	[tilespmem:s26+$0xE430] =	vst.add.f32.msk $0xffff, v39  }
0x36b: {  	[tilespmem:s26+$0xE440] =	vst.add.f32.msk $0xffff, v40  }
0x36c: {  	[tilespmem:s26+$0xE450] =	vst.add.f32.msk $0xffff, v41  }
0x36d: {  	[tilespmem:s26+$0xE460] =	vst.add.f32.msk $0xffff, v42  }
0x36e: {  	[tilespmem:s26+$0xE470] =	vst.add.f32.msk $0xffff, v43  }
0x36f: {  	[tilespmem:s26+$0xE800] =	vst.add.f32.msk $0xffff, v44  }
0x370: {  	[tilespmem:s26+$0xE810] =	vst.add.f32.msk $0xffff, v45  }
0x371: {  	s31 =	sshll.u32 s25, $0x5;
	[tilespmem:s26+$0xE820] =	vst.add.f32.msk $0xffff, v46  }
0x372: {  	s1 =	sadd.s32 s5, s31;
	[tilespmem:s26+$0xE830] =	vst.add.f32.msk $0xffff, v47  }
.Ltmp12:
0x373: {  	s1 =	sshrl.u32 s1, $0x3;
	[tilespmem:s26+$0xE840] =	vst.add.f32.msk $0xffff, v48;
	(pc) =	sbr.rel .LBB2_17-.Ltmp12, $4  }
0x374: {  	s1 =	smul.u32 $0x300, s1;
	[tilespmem:s26+$0xE850] =	vst.add.f32.msk $0xffff, v49  }
0x375: {  	[tilespmem:s26+$0xE860] =	vst.add.f32.msk $0xffff, v50  }
0x376: {  	s1 =	sadd.s32 s3, s1;
	[tilespmem:s26+$0xD440] =	vst.add.f32.msk $0xffff, v4  }
0x377: {  	[hbm4b:s1+s4] =	stream.linear.scatter [tilespmem:s20], [sflag:$0x4], $0x6000, $0x38;
	[tilespmem:$0x19400] =	vst v63  }
.LBB2_19:
0x378: {  	_ =	sfence.sel $0x180000  }
0x379: {  	[bflag:$0x0] =	sbarrier.arrive $0xFFFF  }
0x37a: {  	_ =	strace $0x90000047  }
0x37b: {  	s0 =	stileid.u32;
	[bflag:$0x2] =	sbarrier.arrive $0xFFFF  }
0x37c: {  	p0 =	sne.s32 s0, $0x0;
	s0 =	rddreg [dreg:$0x3]  }
0x37d: {  	s0 =	sadd.s32 @!p0 $0x100000, s0  }
0x37e: {  	[sflag:s0] =	ssyncadd.tile.s32 @!p0 $0x1;
	_ =	shalt  }
.Lfunc_end2:
_tile_overlayer_lowered:
.L_overlay_start_2:
0x37f: {  	(tag) =	ssettag $0x2  }
0x380: {  	s0 =	rddreg [dreg:$0x0];
	s2 =	stileid.u32  }
0x381: {  	s1 =	rddreg [dreg:$0x1];
	p0 =	sne.s32 s2, $0x0  }
0x382: {  	s3 =	rddreg [dreg:$0x2];
	[bflag:$0x3] =	sbarrier.arrive $0xFFFF;
	s2 =	simm.s32 @!p0 $0x1C05  }
0x383: {  	[timem:s3], [sflag:s2] =	dma.local @!p0 [hbm:s0], s1  }
0x384: {  	s0 =	simm.s32 @!p0 $0x5  }
0x385: {  	_ =	swait.ge @!p0 [sflag:s0], s1  }
0x386: {  	s1 =	ssub.s32 @!p0 $0x0, s1;
	[sflag:s0] =	ssyncset.done @!p0 $0x0  }
0x387: {  	[sflag:s0] =	ssyncadd.s32 @!p0 s1  }
0x388: {  	[bflag:$0x3] =	sbarrier.arrive $0xFFFF  }
0x389: {  	_ =	shalt  }

</sc_bundles>
